<compile_context>
chip_gen: v7x
topology: tpu7x:2x2x1
jax: 0.10.2.dev20260603
libtpu: 0.0.44.dev20260713+nightly
codegen_flags: <defaults>
</compile_context>

<pallas_src>
import functools

import jax
import jax.numpy as jnp
from jax import lax
from jax.experimental import pallas as pl
from jax.experimental.pallas import tpu as pltpu
from jax.experimental.pallas import tpu_sc as plsc

N = 10000
E = 320000
H = 128
C = 40

NC = 2
NS = 16
NW = NC * NS
E_PER_W = E // NW
CA = 128
NCH_G = E // CA
NLOC = NCH_G // NW
NTAIL = NCH_G - NLOC * NW
NP = 10112
ROWS_PER_S = NP // NS


def _ln(x, g, b):
    mu = jnp.mean(x, axis=-1, keepdims=True)
    var = jnp.mean((x - mu) ** 2, axis=-1, keepdims=True)
    return (x - mu) * lax.rsqrt(var + 1e-5) * g[None, :] + b[None, :]




def _make_sc_agg(with_cnt: bool):
    mesh = plsc.VectorSubcoreMesh(
        core_axis_name="c", subcore_axis_name="s", num_cores=NC, num_subcores=NS
    )
    out_type = [jax.ShapeDtypeStruct((NC, NP, H), jnp.float32)]
    if with_cnt:
        out_type.append(jax.ShapeDtypeStruct((NW, NP), jnp.float32))
    scratch = [
        pltpu.VMEM((CA,), jnp.int32),
        pltpu.VMEM((CA,), jnp.int32),
        pltpu.VMEM((CA,), jnp.int32),
        pltpu.VMEM((CA,), jnp.int32),
        pltpu.VMEM((CA, H), jnp.float32),
        pltpu.VMEM((CA, H), jnp.float32),
        pltpu.VMEM_SHARED((NP, H), jnp.float32),
        pltpu.SemaphoreType.DMA,
        pltpu.SemaphoreType.DMA,
        pltpu.SemaphoreType.DMA,
        pltpu.SemaphoreType.DMA,
        pltpu.SemaphoreType.DMA,
        pltpu.SemaphoreType.DMA,
    ]
    if with_cnt:
        scratch.append(pltpu.VMEM((NP,), jnp.float32))

    @functools.partial(
        pl.kernel,
        out_type=tuple(out_type),
        mesh=mesh,
        scratch_types=tuple(scratch),
        compiler_params=pltpu.CompilerParams(needs_layout_passes=False),
    )
    def sc_agg(*refs):
        if with_cnt:
            (h_hbm, src_hbm, dst_hbm, zeros_hbm, zeros1_hbm,
             parts_hbm, cnt_hbm,
             si_a, si_b, di_a, di_b, rows_a, rows_b, acc,
             gsem_a, gsem_b, sisem_a, sisem_b, disem_a, disem_b, cvt) = refs
        else:
            (h_hbm, src_hbm, dst_hbm, zeros_hbm, parts_hbm,
             si_a, si_b, di_a, di_b, rows_a, rows_b, acc,
             gsem_a, gsem_b, sisem_a, sisem_b, disem_a, disem_b) = refs
        c = lax.axis_index("c")
        s = lax.axis_index("s")
        wid = c * NS + s
        row0 = s * ROWS_PER_S
        pltpu.sync_copy(zeros_hbm.at[pl.ds(row0, ROWS_PER_S)],
                        acc.at[pl.ds(row0, ROWS_PER_S)])
        if with_cnt:
            pltpu.sync_copy(zeros1_hbm, cvt)
        plsc.subcore_barrier()
        ones16 = jnp.full((16,), 1.0, jnp.float32)

        def count(di):
            if with_cnt:
                for k in range(CA // 16):
                    plsc.addupdate_scatter(cvt, [di[pl.ds(k * 16, 16)]], ones16)

        def src_copy(j, si, sem):
            return pltpu.make_async_copy(
                src_hbm.at[pl.ds((wid + j * NW) * CA, CA)], si, sem)

        def dst_copy(j, di, sem):
            return pltpu.make_async_copy(
                dst_hbm.at[pl.ds((wid + j * NW) * CA, CA)], di, sem)

        def gather_start(si, buf, sem):
            pltpu.async_copy(h_hbm.at[si], buf, sem)

        def gather_wait(si, buf, sem):
            pltpu.make_async_copy(h_hbm.at[si], buf, sem).wait()

        src_copy(0, si_a, sisem_a).start()
        dst_copy(0, di_a, disem_a).start()
        src_copy(1, si_b, sisem_b).start()
        dst_copy(1, di_b, disem_b).start()
        src_copy(0, si_a, sisem_a).wait()
        gather_start(si_a, rows_a, gsem_a)
        src_copy(1, si_b, sisem_b).wait()

        @pl.loop(0, NLOC // 2)
        def _pair(k):
            j0 = 2 * k

            @pl.when(j0 > 0)
            def _():
                src_copy(j0 + 1, si_b, sisem_b).wait()

            gather_start(si_b, rows_b, gsem_b)
            gather_wait(si_a, rows_a, gsem_a)

            @pl.when(j0 + 2 < NLOC)
            def _():
                src_copy(j0 + 2, si_a, sisem_a).start()

            dst_copy(j0, di_a, disem_a).wait()
            count(di_a)
            pltpu.sync_copy(rows_a, acc.at[di_a], add=True)

            @pl.when(j0 + 2 < NLOC)
            def _():
                dst_copy(j0 + 2, di_a, disem_a).start()
                src_copy(j0 + 2, si_a, sisem_a).wait()
                gather_start(si_a, rows_a, gsem_a)

            gather_wait(si_b, rows_b, gsem_b)

            @pl.when(j0 + 3 < NLOC)
            def _():
                src_copy(j0 + 3, si_b, sisem_b).start()

            dst_copy(j0 + 1, di_b, disem_b).wait()
            count(di_b)
            pltpu.sync_copy(rows_b, acc.at[di_b], add=True)

            @pl.when(j0 + 3 < NLOC)
            def _():
                dst_copy(j0 + 3, di_b, disem_b).start()

        @pl.when(wid < NTAIL)
        def _tail():
            g0 = NLOC * NW + wid
            pltpu.sync_copy(src_hbm.at[pl.ds(g0 * CA, CA)], si_a)
            pltpu.sync_copy(dst_hbm.at[pl.ds(g0 * CA, CA)], di_a)
            count(di_a)
            pltpu.async_copy(h_hbm.at[si_a], rows_a, gsem_a).wait()
            pltpu.sync_copy(rows_a, acc.at[di_a], add=True)

        plsc.subcore_barrier()
        pltpu.sync_copy(acc.at[pl.ds(row0, ROWS_PER_S)],
                        parts_hbm.at[c, pl.ds(row0, ROWS_PER_S)])
        if with_cnt:
            pltpu.sync_copy(cvt, cnt_hbm.at[wid])

    return sc_agg


_sc_agg_cnt = _make_sc_agg(True)
_sc_agg = _make_sc_agg(False)



_RB = 1024
_GRID = (N + _RB - 1) // _RB

_w_spec = pl.BlockSpec((H, H), lambda i: (0, 0))
_v_spec = pl.BlockSpec((H,), lambda i: (0,))
_h_spec = pl.BlockSpec((_RB, H), lambda i: (i, 0))


def _proj_body(x_ref, w1, b1, w2, b2, g, b, out_ref):
    xb = x_ref[...]
    h1 = jnp.maximum(
        jnp.dot(xb, w1[...], preferred_element_type=jnp.float32) + b1[...][None, :], 0.0)
    h2 = jnp.dot(h1, w2[...], preferred_element_type=jnp.float32) + b2[...][None, :]
    out_ref[...] = _ln(h2, g[...], b[...])


_tc_proj = pl.pallas_call(
    _proj_body,
    grid=(_GRID,),
    in_specs=[_h_spec, _w_spec, _v_spec, _w_spec, _v_spec, _v_spec, _v_spec],
    out_specs=_h_spec,
    out_shape=jax.ShapeDtypeStruct((N, H), jnp.float32),
)


def _update_body(h_ref, parts_ref, cnt_ref, wl, bl, wr, g, b, out_ref):
    hb = h_ref[...]
    agg = parts_ref[0] + parts_ref[1]
    cnt = jnp.sum(cnt_ref[...], axis=0)[:, None]
    agg = agg / jnp.maximum(cnt, 1.0)
    hn = (jnp.dot(agg, wl[...], preferred_element_type=jnp.float32)
          + bl[...][None, :]
          + jnp.dot(hb, wr[...], preferred_element_type=jnp.float32))
    hn = jnp.maximum(hn, 0.0)
    out_ref[...] = _ln(hb + hn, g[...], b[...])


_parts_spec = pl.BlockSpec((NC, _RB, H), lambda i: (0, i, 0))
_cnt_spec = pl.BlockSpec((NW, _RB), lambda i: (0, i))

_tc_update = pl.pallas_call(
    _update_body,
    grid=(_GRID,),
    in_specs=[_h_spec, _parts_spec, _cnt_spec, _w_spec, _v_spec, _w_spec,
              _v_spec, _v_spec],
    out_specs=_h_spec,
    out_shape=jax.ShapeDtypeStruct((N, H), jnp.float32),
)


def _update_cls_body(h_ref, parts_ref, cnt_ref, wl, bl, wr, g, b,
                     cw1, cb1, cw2, cb2, ze_ref, lg_ref):
    hb = h_ref[...]
    agg = parts_ref[0] + parts_ref[1]
    cnt = jnp.sum(cnt_ref[...], axis=0)[:, None]
    agg = agg / jnp.maximum(cnt, 1.0)
    hn = (jnp.dot(agg, wl[...], preferred_element_type=jnp.float32)
          + bl[...][None, :]
          + jnp.dot(hb, wr[...], preferred_element_type=jnp.float32))
    hn = jnp.maximum(hn, 0.0)
    ze = _ln(hb + hn, g[...], b[...])
    ze_ref[...] = ze
    t = jnp.maximum(
        jnp.dot(ze, cw1[...], preferred_element_type=jnp.float32) + cb1[...][None, :], 0.0)
    lg_ref[...] = jnp.dot(t, cw2[...], preferred_element_type=jnp.float32) + cb2[...][None, :]


_tc_update_cls = pl.pallas_call(
    _update_cls_body,
    grid=(_GRID,),
    in_specs=[_h_spec, _parts_spec, _cnt_spec, _w_spec, _v_spec, _w_spec,
              _v_spec, _v_spec,
              _w_spec, _v_spec, pl.BlockSpec((H, C), lambda i: (0, 0)),
              pl.BlockSpec((C,), lambda i: (0,))],
    out_specs=[_h_spec, pl.BlockSpec((_RB, C), lambda i: (i, 0))],
    out_shape=[jax.ShapeDtypeStruct((N, H), jnp.float32),
               jax.ShapeDtypeStruct((N, C), jnp.float32)],
)


def kernel(x, edge_index, ip_w1, ip_b1, ip_w2, ip_b2, in_g, in_b,
           sage_wl, sage_bl, sage_wr, ln_g, ln_b,
           cl_w1, cl_b1, cl_w2, cl_b2):
    ei = edge_index.astype(jnp.int32)
    src = ei[0]
    dst = ei[1]
    zeros = jnp.zeros((NP, H), jnp.float32)
    zeros1 = jnp.zeros((NP,), jnp.float32)

    h = _tc_proj(x, ip_w1, ip_b1, ip_w2, ip_b2, in_g, in_b)
    parts, cnt = _sc_agg_cnt(h, src, dst, zeros, zeros1)
    h = _tc_update(h, parts, cnt, sage_wl[0], sage_bl[0], sage_wr[0],
                   ln_g[0], ln_b[0])
    (parts2,) = _sc_agg(h, src, dst, zeros)
    ze, logits = _tc_update_cls(h, parts2, cnt, sage_wl[1], sage_bl[1],
                                sage_wr[1], ln_g[1], ln_b[1],
                                cl_w1, cl_b1, cl_w2, cl_b2)
    return (logits, ze)

# --- scband reference (transcript-rebuilt; emitter-appended) ---
"""Pipeline reference for scband-purified-graph-encoder-721554505999 (READ-ONLY COPY).

The authoritative reference and input builder live on the scoring server;
editing this copy changes nothing except your own understanding.
"""

import jax, jax.numpy as jnp
import numpy as np

N = 10000
E = 320000
D = 128
H = 128
C = 40
L = 2


def _layer_norm(x, g, b):
    mu = x.mean(axis=-1, keepdims=True)
    var = ((x - mu) ** 2).mean(axis=-1, keepdims=True)
    return (x - mu) / jnp.sqrt(var + 1e-5) * g + b


def _sage_conv(h, src, dst, wl, bl, wr):
    # PyG SAGEConv (mean aggr): out = lin_l(mean_{src->dst} h[src]) + lin_r(h)
    msg = h[src]
    agg = jax.ops.segment_sum(msg, dst, num_segments=h.shape[0])
    cnt = jax.ops.segment_sum(jnp.ones((src.shape[0],), dtype=h.dtype), dst, num_segments=h.shape[0])
    agg = agg / jnp.clip(cnt, 1.0)[:, None]
    return agg @ wl + bl + h @ wr


def setup_inputs(seed: int = 0) -> dict:
    key = jax.random.key(seed)
    ks = jax.random.split(key, 16)
    x = jax.random.normal(ks[0], (N, D), dtype=jnp.float32)
    edge_index = jax.random.randint(ks[1], (2, E), 0, N, dtype=jnp.int64)
    s = 0.05
    params = {
        "ip_w1": jax.random.normal(ks[2], (D, H), dtype=jnp.float32) * s,
        "ip_b1": jnp.zeros((H,), dtype=jnp.float32),
        "ip_w2": jax.random.normal(ks[3], (H, H), dtype=jnp.float32) * s,
        "ip_b2": jnp.zeros((H,), dtype=jnp.float32),
        "in_g": jnp.ones((H,), dtype=jnp.float32),
        "in_b": jnp.zeros((H,), dtype=jnp.float32),
        "sage_wl": jax.random.normal(ks[4], (L, H, H), dtype=jnp.float32) * s,
        "sage_bl": jnp.zeros((L, H), dtype=jnp.float32),
        "sage_wr": jax.random.normal(ks[5], (L, H, H), dtype=jnp.float32) * s,
        "ln_g": jnp.ones((L, H), dtype=jnp.float32),
        "ln_b": jnp.zeros((L, H), dtype=jnp.float32),
        "cl_w1": jax.random.normal(ks[6], (H, H), dtype=jnp.float32) * s,
        "cl_b1": jnp.zeros((H,), dtype=jnp.float32),
        "cl_w2": jax.random.normal(ks[7], (H, C), dtype=jnp.float32) * s,
        "cl_b2": jnp.zeros((C,), dtype=jnp.float32),
    }
    return {"x": x, "edge_index": edge_index, **params}


def reference(x, edge_index, ip_w1, ip_b1, ip_w2, ip_b2, in_g, in_b,
              sage_wl, sage_bl, sage_wr, ln_g, ln_b,
              cl_w1, cl_b1, cl_w2, cl_b2):
    src = edge_index[0]
    dst = edge_index[1]
    # input_projection (dropout is identity in eval mode)
    h = jax.nn.relu(x @ ip_w1 + ip_b1)
    h = h @ ip_w2 + ip_b2
    h = _layer_norm(h, in_g, in_b)
    # GNN layers with residual
    for i in range(L):
        h_next = _sage_conv(h, src, dst, sage_wl[i], sage_bl[i], sage_wr[i])
        h_next = jax.nn.relu(h_next)
        h = _layer_norm(h + h_next, ln_g[i], ln_b[i])
    ze = h
    # classifier
    logits = jax.nn.relu(ze @ cl_w1 + cl_b1)
    logits = logits @ cl_w2 + cl_b2
    return (logits, ze)

if __name__ == "__main__":
    import jax
    _d = setup_inputs()
    print(jax.jit(kernel)(*tuple(_d.values())))

</pallas_src>

<mosaic_0001>
#map = affine_map<(d0, d1) -> (0, 0)>
#map1 = affine_map<(d0, d1) -> (0)>
#map2 = affine_map<(d0, d1) -> (0, 0, 0)>
module attributes {stable_mosaic.version = 14 : i64} {
  func.func @sc_agg(%arg0: i32, %arg1: i32, %arg2: memref<10000x128xf32, #tpu.memory_space<hbm>>, %arg3: memref<320000xi32, #tpu.memory_space<hbm>>, %arg4: memref<320000xi32, #tpu.memory_space<hbm>>, %arg5: memref<10112x128xf32, #tpu.memory_space<hbm>>, %arg6: memref<10112xf32, #tpu.memory_space<hbm>>, %arg7: memref<2x10112x128xf32, #tpu.memory_space<hbm>>, %arg8: memref<32x10112xf32, #tpu.memory_space<hbm>>, %arg9: memref<128xi32, #tpu.memory_space<vmem>>, %arg10: memref<128xi32, #tpu.memory_space<vmem>>, %arg11: memref<128xi32, #tpu.memory_space<vmem>>, %arg12: memref<128xi32, #tpu.memory_space<vmem>>, %arg13: memref<128x128xf32, #tpu.memory_space<vmem>>, %arg14: memref<128x128xf32, #tpu.memory_space<vmem>>, %arg15: memref<10112x128xf32, #tpu.memory_space<vmem_shared>>, %arg16: memref<!tpu.dma_semaphore, #tpu.memory_space<semaphore_mem>>, %arg17: memref<!tpu.dma_semaphore, #tpu.memory_space<semaphore_mem>>, %arg18: memref<!tpu.dma_semaphore, #tpu.memory_space<semaphore_mem>>, %arg19: memref<!tpu.dma_semaphore, #tpu.memory_space<semaphore_mem>>, %arg20: memref<!tpu.dma_semaphore, #tpu.memory_space<semaphore_mem>>, %arg21: memref<!tpu.dma_semaphore, #tpu.memory_space<semaphore_mem>>, %arg22: memref<10112xf32, #tpu.memory_space<vmem>>) attributes {dimension_semantics = [#tpu.dimension_semantics<core_parallel>, #tpu.dimension_semantics<subcore_parallel>], iteration_bounds = array<i64: 2, 16>, scalar_prefetch = 0 : i64, scratch_operands = 14 : i64, tpu.core_type = #tpu.core_type<sc_vector_subcore>, window_params = [{transform_indices = #map}, {transform_indices = #map1}, {transform_indices = #map1}, {transform_indices = #map}, {transform_indices = #map1}, {transform_indices = #map2}, {transform_indices = #map}]} {
    %mul3A = arith.constant 16 : i32
    %mul3A_0 = arith.muli %arg0, %mul3A : i32
    %add3A = arith.addi %mul3A_0, %arg1 : i32
    %mul3A_1 = arith.constant 632 : i32
    %mul3A_2 = arith.muli %arg1, %mul3A_1 : i32
    "tpu.region"() ({
      %run_scoped3A = tpu.sem_alloc : memref<!tpu.dma_semaphore, #tpu.memory_space<semaphore_mem>>
      %dma_start3A_48 = arith.constant 0 : i32
      %dma_start3A_49 = tpu.memref_slice %arg15[%mul3A_2, %dma_start3A_48] : memref<10112x128xf32, #tpu.memory_space<vmem_shared>> -> memref<632x128xf32, #tpu.memory_space<vmem_shared>>
      %dma_start3A_50 = arith.constant 0 : i32
      %dma_start3A_51 = tpu.memref_slice %arg5[%mul3A_2, %dma_start3A_50] : memref<10112x128xf32, #tpu.memory_space<hbm>> -> memref<632x128xf32, #tpu.memory_space<hbm>>
      tpu.enqueue_dma source(%dma_start3A_51 : memref<632x128xf32, #tpu.memory_space<hbm>>) target(%dma_start3A_49 : memref<632x128xf32, #tpu.memory_space<vmem_shared>>) target_semaphore(%run_scoped3A : memref<!tpu.dma_semaphore, #tpu.memory_space<semaphore_mem>>)
      %dma_wait3A_52 = arith.constant 0 : i32
      %dma_wait3A_53 = tpu.memref_slice %arg15[%mul3A_2, %dma_wait3A_52] : memref<10112x128xf32, #tpu.memory_space<vmem_shared>> -> memref<632x128xf32, #tpu.memory_space<vmem_shared>>
      %dma_wait3A_54 = arith.constant 0 : i32
      %dma_wait3A_55 = tpu.memref_slice %arg5[%mul3A_2, %dma_wait3A_54] : memref<10112x128xf32, #tpu.memory_space<hbm>> -> memref<632x128xf32, #tpu.memory_space<hbm>>
      tpu.wait_dma2 semaphore(%run_scoped3A : memref<!tpu.dma_semaphore, #tpu.memory_space<semaphore_mem>>) src(%dma_wait3A_55 : memref<632x128xf32, #tpu.memory_space<hbm>>) dst(%dma_wait3A_53 : memref<632x128xf32, #tpu.memory_space<vmem_shared>>)
      tpu.yield
    }) : () -> ()
    "tpu.region"() ({
      %run_scoped3A = tpu.sem_alloc : memref<!tpu.dma_semaphore, #tpu.memory_space<semaphore_mem>>
      tpu.enqueue_dma source(%arg6 : memref<10112xf32, #tpu.memory_space<hbm>>) target(%arg22 : memref<10112xf32, #tpu.memory_space<vmem>>) target_semaphore(%run_scoped3A : memref<!tpu.dma_semaphore, #tpu.memory_space<semaphore_mem>>)
      tpu.wait_dma2 semaphore(%run_scoped3A : memref<!tpu.dma_semaphore, #tpu.memory_space<semaphore_mem>>) src(%arg6 : memref<10112xf32, #tpu.memory_space<hbm>>) dst(%arg22 : memref<10112xf32, #tpu.memory_space<vmem>>)
      tpu.yield
    }) : () -> ()
    %barrier3A = arith.constant 0 : index
    tpu.barrier barrier_id(%barrier3A)
    %broadcast_in_dim3A = arith.constant 1.000000e+00 : f32
    %broadcast_in_dim3A_3 = vector.broadcast %broadcast_in_dim3A : f32 to vector<16xf32>
    %add3A_4 = arith.constant 0 : i32
    %add3A_5 = arith.addi %add3A, %add3A_4 : i32
    %mul3A_6 = arith.constant 128 : i32
    %mul3A_7 = arith.muli %add3A_5, %mul3A_6 : i32
    %dma_start3A = tpu.memref_slice %arg3[%mul3A_7] : memref<320000xi32, #tpu.memory_space<hbm>> -> memref<128xi32, #tpu.memory_space<hbm>>
    %dma_start3A_8 = tpu.memref_slice %arg3[%mul3A_7] : memref<320000xi32, #tpu.memory_space<hbm>> -> memref<128xi32, #tpu.memory_space<hbm>>
    tpu.enqueue_dma source(%dma_start3A_8 : memref<128xi32, #tpu.memory_space<hbm>>) target(%arg9 : memref<128xi32, #tpu.memory_space<vmem>>) target_semaphore(%arg18 : memref<!tpu.dma_semaphore, #tpu.memory_space<semaphore_mem>>)
    %add3A_9 = arith.constant 0 : i32
    %add3A_10 = arith.addi %add3A, %add3A_9 : i32
    %mul3A_11 = arith.constant 128 : i32
    %mul3A_12 = arith.muli %add3A_10, %mul3A_11 : i32
    %dma_start3A_13 = tpu.memref_slice %arg4[%mul3A_12] : memref<320000xi32, #tpu.memory_space<hbm>> -> memref<128xi32, #tpu.memory_space<hbm>>
    %dma_start3A_14 = tpu.memref_slice %arg4[%mul3A_12] : memref<320000xi32, #tpu.memory_space<hbm>> -> memref<128xi32, #tpu.memory_space<hbm>>
    tpu.enqueue_dma source(%dma_start3A_14 : memref<128xi32, #tpu.memory_space<hbm>>) target(%arg11 : memref<128xi32, #tpu.memory_space<vmem>>) target_semaphore(%arg20 : memref<!tpu.dma_semaphore, #tpu.memory_space<semaphore_mem>>)
    %add3A_15 = arith.constant 32 : i32
    %add3A_16 = arith.addi %add3A, %add3A_15 : i32
    %mul3A_17 = arith.constant 128 : i32
    %mul3A_18 = arith.muli %add3A_16, %mul3A_17 : i32
    %dma_start3A_19 = tpu.memref_slice %arg3[%mul3A_18] : memref<320000xi32, #tpu.memory_space<hbm>> -> memref<128xi32, #tpu.memory_space<hbm>>
    %dma_start3A_20 = tpu.memref_slice %arg3[%mul3A_18] : memref<320000xi32, #tpu.memory_space<hbm>> -> memref<128xi32, #tpu.memory_space<hbm>>
    tpu.enqueue_dma source(%dma_start3A_20 : memref<128xi32, #tpu.memory_space<hbm>>) target(%arg10 : memref<128xi32, #tpu.memory_space<vmem>>) target_semaphore(%arg19 : memref<!tpu.dma_semaphore, #tpu.memory_space<semaphore_mem>>)
    %add3A_21 = arith.constant 32 : i32
    %add3A_22 = arith.addi %add3A, %add3A_21 : i32
    %mul3A_23 = arith.constant 128 : i32
    %mul3A_24 = arith.muli %add3A_22, %mul3A_23 : i32
    %dma_start3A_25 = tpu.memref_slice %arg4[%mul3A_24] : memref<320000xi32, #tpu.memory_space<hbm>> -> memref<128xi32, #tpu.memory_space<hbm>>
    %dma_start3A_26 = tpu.memref_slice %arg4[%mul3A_24] : memref<320000xi32, #tpu.memory_space<hbm>> -> memref<128xi32, #tpu.memory_space<hbm>>
    tpu.enqueue_dma source(%dma_start3A_26 : memref<128xi32, #tpu.memory_space<hbm>>) target(%arg12 : memref<128xi32, #tpu.memory_space<vmem>>) target_semaphore(%arg21 : memref<!tpu.dma_semaphore, #tpu.memory_space<semaphore_mem>>)
    %add3A_27 = arith.constant 0 : i32
    %add3A_28 = arith.addi %add3A, %add3A_27 : i32
    %mul3A_29 = arith.constant 128 : i32
    %mul3A_30 = arith.muli %add3A_28, %mul3A_29 : i32
    %dma_wait3A = tpu.memref_slice %arg3[%mul3A_30] : memref<320000xi32, #tpu.memory_space<hbm>> -> memref<128xi32, #tpu.memory_space<hbm>>
    %dma_wait3A_31 = tpu.memref_slice %arg3[%mul3A_30] : memref<320000xi32, #tpu.memory_space<hbm>> -> memref<128xi32, #tpu.memory_space<hbm>>
    tpu.wait_dma2 semaphore(%arg18 : memref<!tpu.dma_semaphore, #tpu.memory_space<semaphore_mem>>) src(%dma_wait3A_31 : memref<128xi32, #tpu.memory_space<hbm>>) dst(%arg9 : memref<128xi32, #tpu.memory_space<vmem>>)
    %dma_start3A_32 = arith.constant 0 : i32
    %dma_start3A_33 = arith.constant 0 : i32
    %dma_start3A_34 = tpu.memref_slice %arg2[%dma_start3A_32, %dma_start3A_33] : memref<10000x128xf32, #tpu.memory_space<hbm>> -> memref<10000x128xf32, #tpu.memory_space<hbm>>
    tpu.enqueue_indirect_dma source(%dma_start3A_34 : memref<10000x128xf32, #tpu.memory_space<hbm>>) target(%arg13 : memref<128x128xf32, #tpu.memory_space<vmem>>) offsets(%arg9 : memref<128xi32, #tpu.memory_space<vmem>>) semaphore(%arg16 : memref<!tpu.dma_semaphore, #tpu.memory_space<semaphore_mem>>)
    %add3A_35 = arith.constant 32 : i32
    %add3A_36 = arith.addi %add3A, %add3A_35 : i32
    %mul3A_37 = arith.constant 128 : i32
    %mul3A_38 = arith.muli %add3A_36, %mul3A_37 : i32
    %dma_wait3A_39 = tpu.memref_slice %arg3[%mul3A_38] : memref<320000xi32, #tpu.memory_space<hbm>> -> memref<128xi32, #tpu.memory_space<hbm>>
    %dma_wait3A_40 = tpu.memref_slice %arg3[%mul3A_38] : memref<320000xi32, #tpu.memory_space<hbm>> -> memref<128xi32, #tpu.memory_space<hbm>>
    tpu.wait_dma2 semaphore(%arg19 : memref<!tpu.dma_semaphore, #tpu.memory_space<semaphore_mem>>) src(%dma_wait3A_40 : memref<128xi32, #tpu.memory_space<hbm>>) dst(%arg10 : memref<128xi32, #tpu.memory_space<vmem>>)
    %scan3A = arith.constant 0 : i32
    %scan3A_41 = arith.constant 39 : i32
    %scan3A_42 = arith.addi %scan3A, %scan3A_41 : i32
    %scan3A_43 = arith.constant 1 : i32
    scf.for %scan3A_48 = %scan3A to %scan3A_42 step %scan3A_43  : i32 {
      %mul3A_49 = arith.constant 1 : i32
      %mul3A_50 = arith.muli %scan3A_48, %mul3A_49 : i32
      %add3A_51 = arith.constant 0 : i32
      %add3A_52 = arith.addi %add3A_51, %mul3A_50 : i32
      %mul3A_53 = arith.constant 2 : i32
      %mul3A_54 = arith.muli %mul3A_53, %add3A_52 : i32
      %gt3A = arith.constant 0 : i32
      %gt3A_55 = arith.cmpi sgt, %mul3A_54, %gt3A : i32
      %convert_element_type3A_56 = arith.extui %gt3A_55 : i1 to i32
      %cond3A_57 = arith.constant 0 : i32
      %cond3A_58 = arith.cmpi ne, %convert_element_type3A_56, %cond3A_57 : i32
      scf.if %cond3A_58 {
        %add3A_143 = arith.constant 1 : i32
        %add3A_144 = arith.addi %mul3A_54, %add3A_143 : i32
        %mul3A_145 = arith.constant 32 : i32
        %mul3A_146 = arith.muli %add3A_144, %mul3A_145 : i32
        %add3A_147 = arith.addi %add3A, %mul3A_146 : i32
        %mul3A_148 = arith.constant 128 : i32
        %mul3A_149 = arith.muli %add3A_147, %mul3A_148 : i32
        %dma_wait3A_150 = tpu.memref_slice %arg3[%mul3A_149] : memref<320000xi32, #tpu.memory_space<hbm>> -> memref<128xi32, #tpu.memory_space<hbm>>
        %dma_wait3A_151 = tpu.memref_slice %arg3[%mul3A_149] : memref<320000xi32, #tpu.memory_space<hbm>> -> memref<128xi32, #tpu.memory_space<hbm>>
        tpu.wait_dma2 semaphore(%arg19 : memref<!tpu.dma_semaphore, #tpu.memory_space<semaphore_mem>>) src(%dma_wait3A_151 : memref<128xi32, #tpu.memory_space<hbm>>) dst(%arg10 : memref<128xi32, #tpu.memory_space<vmem>>)
      } else {
      }
      %dma_start3A_59 = arith.constant 0 : i32
      %dma_start3A_60 = arith.constant 0 : i32
      %dma_start3A_61 = tpu.memref_slice %arg2[%dma_start3A_59, %dma_start3A_60] : memref<10000x128xf32, #tpu.memory_space<hbm>> -> memref<10000x128xf32, #tpu.memory_space<hbm>>
      tpu.enqueue_indirect_dma source(%dma_start3A_61 : memref<10000x128xf32, #tpu.memory_space<hbm>>) target(%arg14 : memref<128x128xf32, #tpu.memory_space<vmem>>) offsets(%arg10 : memref<128xi32, #tpu.memory_space<vmem>>) semaphore(%arg17 : memref<!tpu.dma_semaphore, #tpu.memory_space<semaphore_mem>>)
      %dma_wait3A_62 = arith.constant 0 : i32
      %dma_wait3A_63 = arith.constant 0 : i32
      %dma_wait3A_64 = tpu.memref_slice %arg2[%dma_wait3A_62, %dma_wait3A_63] : memref<10000x128xf32, #tpu.memory_space<hbm>> -> memref<10000x128xf32, #tpu.memory_space<hbm>>
      tpu.wait_indirect_dma semaphore(%arg16 : memref<!tpu.dma_semaphore, #tpu.memory_space<semaphore_mem>>) src(%dma_wait3A_64 : memref<10000x128xf32, #tpu.memory_space<hbm>>) dst(%arg13 : memref<128x128xf32, #tpu.memory_space<vmem>>)
      %add3A_65 = arith.constant 2 : i32
      %add3A_66 = arith.addi %mul3A_54, %add3A_65 : i32
      %lt3A_67 = arith.constant 78 : i32
      %lt3A_68 = arith.cmpi slt, %add3A_66, %lt3A_67 : i32
      %convert_element_type3A_69 = arith.extui %lt3A_68 : i1 to i32
      %cond3A_70 = arith.constant 0 : i32
      %cond3A_71 = arith.cmpi ne, %convert_element_type3A_69, %cond3A_70 : i32
      scf.if %cond3A_71 {
        %add3A_143 = arith.constant 2 : i32
        %add3A_144 = arith.addi %mul3A_54, %add3A_143 : i32
        %mul3A_145 = arith.constant 32 : i32
        %mul3A_146 = arith.muli %add3A_144, %mul3A_145 : i32
        %add3A_147 = arith.addi %add3A, %mul3A_146 : i32
        %mul3A_148 = arith.constant 128 : i32
        %mul3A_149 = arith.muli %add3A_147, %mul3A_148 : i32
        %dma_start3A_150 = tpu.memref_slice %arg3[%mul3A_149] : memref<320000xi32, #tpu.memory_space<hbm>> -> memref<128xi32, #tpu.memory_space<hbm>>
        %dma_start3A_151 = tpu.memref_slice %arg3[%mul3A_149] : memref<320000xi32, #tpu.memory_space<hbm>> -> memref<128xi32, #tpu.memory_space<hbm>>
        tpu.enqueue_dma source(%dma_start3A_151 : memref<128xi32, #tpu.memory_space<hbm>>) target(%arg9 : memref<128xi32, #tpu.memory_space<vmem>>) target_semaphore(%arg18 : memref<!tpu.dma_semaphore, #tpu.memory_space<semaphore_mem>>)
      } else {
      }
      %mul3A_72 = arith.constant 32 : i32
      %mul3A_73 = arith.muli %mul3A_54, %mul3A_72 : i32
      %add3A_74 = arith.addi %add3A, %mul3A_73 : i32
      %mul3A_75 = arith.constant 128 : i32
      %mul3A_76 = arith.muli %add3A_74, %mul3A_75 : i32
      %dma_wait3A_77 = tpu.memref_slice %arg4[%mul3A_76] : memref<320000xi32, #tpu.memory_space<hbm>> -> memref<128xi32, #tpu.memory_space<hbm>>
      %dma_wait3A_78 = tpu.memref_slice %arg4[%mul3A_76] : memref<320000xi32, #tpu.memory_space<hbm>> -> memref<128xi32, #tpu.memory_space<hbm>>
      tpu.wait_dma2 semaphore(%arg20 : memref<!tpu.dma_semaphore, #tpu.memory_space<semaphore_mem>>) src(%dma_wait3A_78 : memref<128xi32, #tpu.memory_space<hbm>>) dst(%arg11 : memref<128xi32, #tpu.memory_space<vmem>>)
      %get3A = arith.constant 0 : index
      %get3A_79 = tpu.vector_load %arg11[%get3A] {strides = array<i32>} : memref<128xi32, #tpu.memory_space<vmem>>, vector<16xi32>,
      tpu.vector_store_idx %arg22[%get3A_79], %broadcast_in_dim3A_3 {add = true} : memref<10112xf32, #tpu.memory_space<vmem>>[vector<16xi32>], vector<16xf32>,
      %get3A_80 = arith.constant 16 : index
      %get3A_81 = tpu.vector_load %arg11[%get3A_80] {strides = array<i32>} : memref<128xi32, #tpu.memory_space<vmem>>, vector<16xi32>,
      tpu.vector_store_idx %arg22[%get3A_81], %broadcast_in_dim3A_3 {add = true} : memref<10112xf32, #tpu.memory_space<vmem>>[vector<16xi32>], vector<16xf32>,
      %get3A_82 = arith.constant 32 : index
      %get3A_83 = tpu.vector_load %arg11[%get3A_82] {strides = array<i32>} : memref<128xi32, #tpu.memory_space<vmem>>, vector<16xi32>,
      tpu.vector_store_idx %arg22[%get3A_83], %broadcast_in_dim3A_3 {add = true} : memref<10112xf32, #tpu.memory_space<vmem>>[vector<16xi32>], vector<16xf32>,
      %get3A_84 = arith.constant 48 : index
      %get3A_85 = tpu.vector_load %arg11[%get3A_84] {strides = array<i32>} : memref<128xi32, #tpu.memory_space<vmem>>, vector<16xi32>,
      tpu.vector_store_idx %arg22[%get3A_85], %broadcast_in_dim3A_3 {add = true} : memref<10112xf32, #tpu.memory_space<vmem>>[vector<16xi32>], vector<16xf32>,
      %get3A_86 = arith.constant 64 : index
      %get3A_87 = tpu.vector_load %arg11[%get3A_86] {strides = array<i32>} : memref<128xi32, #tpu.memory_space<vmem>>, vector<16xi32>,
      tpu.vector_store_idx %arg22[%get3A_87], %broadcast_in_dim3A_3 {add = true} : memref<10112xf32, #tpu.memory_space<vmem>>[vector<16xi32>], vector<16xf32>,
      %get3A_88 = arith.constant 80 : index
      %get3A_89 = tpu.vector_load %arg11[%get3A_88] {strides = array<i32>} : memref<128xi32, #tpu.memory_space<vmem>>, vector<16xi32>,
      tpu.vector_store_idx %arg22[%get3A_89], %broadcast_in_dim3A_3 {add = true} : memref<10112xf32, #tpu.memory_space<vmem>>[vector<16xi32>], vector<16xf32>,
      %get3A_90 = arith.constant 96 : index
      %get3A_91 = tpu.vector_load %arg11[%get3A_90] {strides = array<i32>} : memref<128xi32, #tpu.memory_space<vmem>>, vector<16xi32>,
      tpu.vector_store_idx %arg22[%get3A_91], %broadcast_in_dim3A_3 {add = true} : memref<10112xf32, #tpu.memory_space<vmem>>[vector<16xi32>], vector<16xf32>,
      %get3A_92 = arith.constant 112 : index
      %get3A_93 = tpu.vector_load %arg11[%get3A_92] {strides = array<i32>} : memref<128xi32, #tpu.memory_space<vmem>>, vector<16xi32>,
      tpu.vector_store_idx %arg22[%get3A_93], %broadcast_in_dim3A_3 {add = true} : memref<10112xf32, #tpu.memory_space<vmem>>[vector<16xi32>], vector<16xf32>,
      "tpu.region"() ({
        %run_scoped3A = tpu.sem_alloc : memref<!tpu.dma_semaphore, #tpu.memory_space<semaphore_mem>>
        %dma_start3A_143 = arith.constant 0 : i32
        %dma_start3A_144 = arith.constant 0 : i32
        %dma_start3A_145 = tpu.memref_slice %arg15[%dma_start3A_143, %dma_start3A_144] : memref<10112x128xf32, #tpu.memory_space<vmem_shared>> -> memref<10112x128xf32, #tpu.memory_space<vmem_shared>>
        tpu.enqueue_indirect_dma source(%arg13 : memref<128x128xf32, #tpu.memory_space<vmem>>) target(%dma_start3A_145 : memref<10112x128xf32, #tpu.memory_space<vmem_shared>>) offsets(%arg11 : memref<128xi32, #tpu.memory_space<vmem>>) semaphore(%run_scoped3A : memref<!tpu.dma_semaphore, #tpu.memory_space<semaphore_mem>>) {add = true}
        %dma_wait3A_146 = arith.constant 0 : i32
        %dma_wait3A_147 = arith.constant 0 : i32
        %dma_wait3A_148 = tpu.memref_slice %arg15[%dma_wait3A_146, %dma_wait3A_147] : memref<10112x128xf32, #tpu.memory_space<vmem_shared>> -> memref<10112x128xf32, #tpu.memory_space<vmem_shared>>
        tpu.wait_indirect_dma semaphore(%run_scoped3A : memref<!tpu.dma_semaphore, #tpu.memory_space<semaphore_mem>>) src(%arg13 : memref<128x128xf32, #tpu.memory_space<vmem>>) dst(%dma_wait3A_148 : memref<10112x128xf32, #tpu.memory_space<vmem_shared>>)
        tpu.yield
      }) : () -> ()
      %add3A_94 = arith.constant 2 : i32
      %add3A_95 = arith.addi %mul3A_54, %add3A_94 : i32
      %lt3A_96 = arith.constant 78 : i32
      %lt3A_97 = arith.cmpi slt, %add3A_95, %lt3A_96 : i32
      %convert_element_type3A_98 = arith.extui %lt3A_97 : i1 to i32
      %cond3A_99 = arith.constant 0 : i32
      %cond3A_100 = arith.cmpi ne, %convert_element_type3A_98, %cond3A_99 : i32
      scf.if %cond3A_100 {
        %add3A_143 = arith.constant 2 : i32
        %add3A_144 = arith.addi %mul3A_54, %add3A_143 : i32
        %mul3A_145 = arith.constant 32 : i32
        %mul3A_146 = arith.muli %add3A_144, %mul3A_145 : i32
        %add3A_147 = arith.addi %add3A, %mul3A_146 : i32
        %mul3A_148 = arith.constant 128 : i32
        %mul3A_149 = arith.muli %add3A_147, %mul3A_148 : i32
        %dma_start3A_150 = tpu.memref_slice %arg4[%mul3A_149] : memref<320000xi32, #tpu.memory_space<hbm>> -> memref<128xi32, #tpu.memory_space<hbm>>
        %dma_start3A_151 = tpu.memref_slice %arg4[%mul3A_149] : memref<320000xi32, #tpu.memory_space<hbm>> -> memref<128xi32, #tpu.memory_space<hbm>>
        tpu.enqueue_dma source(%dma_start3A_151 : memref<128xi32, #tpu.memory_space<hbm>>) target(%arg11 : memref<128xi32, #tpu.memory_space<vmem>>) target_semaphore(%arg20 : memref<!tpu.dma_semaphore, #tpu.memory_space<semaphore_mem>>)
        %add3A_152 = arith.constant 2 : i32
        %add3A_153 = arith.addi %mul3A_54, %add3A_152 : i32
        %mul3A_154 = arith.constant 32 : i32
        %mul3A_155 = arith.muli %add3A_153, %mul3A_154 : i32
        %add3A_156 = arith.addi %add3A, %mul3A_155 : i32
        %mul3A_157 = arith.constant 128 : i32
        %mul3A_158 = arith.muli %add3A_156, %mul3A_157 : i32
        %dma_wait3A_159 = tpu.memref_slice %arg3[%mul3A_158] : memref<320000xi32, #tpu.memory_space<hbm>> -> memref<128xi32, #tpu.memory_space<hbm>>
        %dma_wait3A_160 = tpu.memref_slice %arg3[%mul3A_158] : memref<320000xi32, #tpu.memory_space<hbm>> -> memref<128xi32, #tpu.memory_space<hbm>>
        tpu.wait_dma2 semaphore(%arg18 : memref<!tpu.dma_semaphore, #tpu.memory_space<semaphore_mem>>) src(%dma_wait3A_160 : memref<128xi32, #tpu.memory_space<hbm>>) dst(%arg9 : memref<128xi32, #tpu.memory_space<vmem>>)
        %dma_start3A_161 = arith.constant 0 : i32
        %dma_start3A_162 = arith.constant 0 : i32
        %dma_start3A_163 = tpu.memref_slice %arg2[%dma_start3A_161, %dma_start3A_162] : memref<10000x128xf32, #tpu.memory_space<hbm>> -> memref<10000x128xf32, #tpu.memory_space<hbm>>
        tpu.enqueue_indirect_dma source(%dma_start3A_163 : memref<10000x128xf32, #tpu.memory_space<hbm>>) target(%arg13 : memref<128x128xf32, #tpu.memory_space<vmem>>) offsets(%arg9 : memref<128xi32, #tpu.memory_space<vmem>>) semaphore(%arg16 : memref<!tpu.dma_semaphore, #tpu.memory_space<semaphore_mem>>)
      } else {
      }
      %dma_wait3A_101 = arith.constant 0 : i32
      %dma_wait3A_102 = arith.constant 0 : i32
      %dma_wait3A_103 = tpu.memref_slice %arg2[%dma_wait3A_101, %dma_wait3A_102] : memref<10000x128xf32, #tpu.memory_space<hbm>> -> memref<10000x128xf32, #tpu.memory_space<hbm>>
      tpu.wait_indirect_dma semaphore(%arg17 : memref<!tpu.dma_semaphore, #tpu.memory_space<semaphore_mem>>) src(%dma_wait3A_103 : memref<10000x128xf32, #tpu.memory_space<hbm>>) dst(%arg14 : memref<128x128xf32, #tpu.memory_space<vmem>>)
      %add3A_104 = arith.constant 3 : i32
      %add3A_105 = arith.addi %mul3A_54, %add3A_104 : i32
      %lt3A_106 = arith.constant 78 : i32
      %lt3A_107 = arith.cmpi slt, %add3A_105, %lt3A_106 : i32
      %convert_element_type3A_108 = arith.extui %lt3A_107 : i1 to i32
      %cond3A_109 = arith.constant 0 : i32
      %cond3A_110 = arith.cmpi ne, %convert_element_type3A_108, %cond3A_109 : i32
      scf.if %cond3A_110 {
        %add3A_143 = arith.constant 3 : i32
        %add3A_144 = arith.addi %mul3A_54, %add3A_143 : i32
        %mul3A_145 = arith.constant 32 : i32
        %mul3A_146 = arith.muli %add3A_144, %mul3A_145 : i32
        %add3A_147 = arith.addi %add3A, %mul3A_146 : i32
        %mul3A_148 = arith.constant 128 : i32
        %mul3A_149 = arith.muli %add3A_147, %mul3A_148 : i32
        %dma_start3A_150 = tpu.memref_slice %arg3[%mul3A_149] : memref<320000xi32, #tpu.memory_space<hbm>> -> memref<128xi32, #tpu.memory_space<hbm>>
        %dma_start3A_151 = tpu.memref_slice %arg3[%mul3A_149] : memref<320000xi32, #tpu.memory_space<hbm>> -> memref<128xi32, #tpu.memory_space<hbm>>
        tpu.enqueue_dma source(%dma_start3A_151 : memref<128xi32, #tpu.memory_space<hbm>>) target(%arg10 : memref<128xi32, #tpu.memory_space<vmem>>) target_semaphore(%arg19 : memref<!tpu.dma_semaphore, #tpu.memory_space<semaphore_mem>>)
      } else {
      }
      %add3A_111 = arith.constant 1 : i32
      %add3A_112 = arith.addi %mul3A_54, %add3A_111 : i32
      %mul3A_113 = arith.constant 32 : i32
      %mul3A_114 = arith.muli %add3A_112, %mul3A_113 : i32
      %add3A_115 = arith.addi %add3A, %mul3A_114 : i32
      %mul3A_116 = arith.constant 128 : i32
      %mul3A_117 = arith.muli %add3A_115, %mul3A_116 : i32
      %dma_wait3A_118 = tpu.memref_slice %arg4[%mul3A_117] : memref<320000xi32, #tpu.memory_space<hbm>> -> memref<128xi32, #tpu.memory_space<hbm>>
      %dma_wait3A_119 = tpu.memref_slice %arg4[%mul3A_117] : memref<320000xi32, #tpu.memory_space<hbm>> -> memref<128xi32, #tpu.memory_space<hbm>>
      tpu.wait_dma2 semaphore(%arg21 : memref<!tpu.dma_semaphore, #tpu.memory_space<semaphore_mem>>) src(%dma_wait3A_119 : memref<128xi32, #tpu.memory_space<hbm>>) dst(%arg12 : memref<128xi32, #tpu.memory_space<vmem>>)
      %get3A_120 = arith.constant 0 : index
      %get3A_121 = tpu.vector_load %arg12[%get3A_120] {strides = array<i32>} : memref<128xi32, #tpu.memory_space<vmem>>, vector<16xi32>,
      tpu.vector_store_idx %arg22[%get3A_121], %broadcast_in_dim3A_3 {add = true} : memref<10112xf32, #tpu.memory_space<vmem>>[vector<16xi32>], vector<16xf32>,
      %get3A_122 = arith.constant 16 : index
      %get3A_123 = tpu.vector_load %arg12[%get3A_122] {strides = array<i32>} : memref<128xi32, #tpu.memory_space<vmem>>, vector<16xi32>,
      tpu.vector_store_idx %arg22[%get3A_123], %broadcast_in_dim3A_3 {add = true} : memref<10112xf32, #tpu.memory_space<vmem>>[vector<16xi32>], vector<16xf32>,
      %get3A_124 = arith.constant 32 : index
      %get3A_125 = tpu.vector_load %arg12[%get3A_124] {strides = array<i32>} : memref<128xi32, #tpu.memory_space<vmem>>, vector<16xi32>,
      tpu.vector_store_idx %arg22[%get3A_125], %broadcast_in_dim3A_3 {add = true} : memref<10112xf32, #tpu.memory_space<vmem>>[vector<16xi32>], vector<16xf32>,
      %get3A_126 = arith.constant 48 : index
      %get3A_127 = tpu.vector_load %arg12[%get3A_126] {strides = array<i32>} : memref<128xi32, #tpu.memory_space<vmem>>, vector<16xi32>,
      tpu.vector_store_idx %arg22[%get3A_127], %broadcast_in_dim3A_3 {add = true} : memref<10112xf32, #tpu.memory_space<vmem>>[vector<16xi32>], vector<16xf32>,
      %get3A_128 = arith.constant 64 : index
      %get3A_129 = tpu.vector_load %arg12[%get3A_128] {strides = array<i32>} : memref<128xi32, #tpu.memory_space<vmem>>, vector<16xi32>,
      tpu.vector_store_idx %arg22[%get3A_129], %broadcast_in_dim3A_3 {add = true} : memref<10112xf32, #tpu.memory_space<vmem>>[vector<16xi32>], vector<16xf32>,
      %get3A_130 = arith.constant 80 : index
      %get3A_131 = tpu.vector_load %arg12[%get3A_130] {strides = array<i32>} : memref<128xi32, #tpu.memory_space<vmem>>, vector<16xi32>,
      tpu.vector_store_idx %arg22[%get3A_131], %broadcast_in_dim3A_3 {add = true} : memref<10112xf32, #tpu.memory_space<vmem>>[vector<16xi32>], vector<16xf32>,
      %get3A_132 = arith.constant 96 : index
      %get3A_133 = tpu.vector_load %arg12[%get3A_132] {strides = array<i32>} : memref<128xi32, #tpu.memory_space<vmem>>, vector<16xi32>,
      tpu.vector_store_idx %arg22[%get3A_133], %broadcast_in_dim3A_3 {add = true} : memref<10112xf32, #tpu.memory_space<vmem>>[vector<16xi32>], vector<16xf32>,
      %get3A_134 = arith.constant 112 : index
      %get3A_135 = tpu.vector_load %arg12[%get3A_134] {strides = array<i32>} : memref<128xi32, #tpu.memory_space<vmem>>, vector<16xi32>,
      tpu.vector_store_idx %arg22[%get3A_135], %broadcast_in_dim3A_3 {add = true} : memref<10112xf32, #tpu.memory_space<vmem>>[vector<16xi32>], vector<16xf32>,
      "tpu.region"() ({
        %run_scoped3A = tpu.sem_alloc : memref<!tpu.dma_semaphore, #tpu.memory_space<semaphore_mem>>
        %dma_start3A_143 = arith.constant 0 : i32
        %dma_start3A_144 = arith.constant 0 : i32
        %dma_start3A_145 = tpu.memref_slice %arg15[%dma_start3A_143, %dma_start3A_144] : memref<10112x128xf32, #tpu.memory_space<vmem_shared>> -> memref<10112x128xf32, #tpu.memory_space<vmem_shared>>
        tpu.enqueue_indirect_dma source(%arg14 : memref<128x128xf32, #tpu.memory_space<vmem>>) target(%dma_start3A_145 : memref<10112x128xf32, #tpu.memory_space<vmem_shared>>) offsets(%arg12 : memref<128xi32, #tpu.memory_space<vmem>>) semaphore(%run_scoped3A : memref<!tpu.dma_semaphore, #tpu.memory_space<semaphore_mem>>) {add = true}
        %dma_wait3A_146 = arith.constant 0 : i32
        %dma_wait3A_147 = arith.constant 0 : i32
        %dma_wait3A_148 = tpu.memref_slice %arg15[%dma_wait3A_146, %dma_wait3A_147] : memref<10112x128xf32, #tpu.memory_space<vmem_shared>> -> memref<10112x128xf32, #tpu.memory_space<vmem_shared>>
        tpu.wait_indirect_dma semaphore(%run_scoped3A : memref<!tpu.dma_semaphore, #tpu.memory_space<semaphore_mem>>) src(%arg14 : memref<128x128xf32, #tpu.memory_space<vmem>>) dst(%dma_wait3A_148 : memref<10112x128xf32, #tpu.memory_space<vmem_shared>>)
        tpu.yield
      }) : () -> ()
      %add3A_136 = arith.constant 3 : i32
      %add3A_137 = arith.addi %mul3A_54, %add3A_136 : i32
      %lt3A_138 = arith.constant 78 : i32
      %lt3A_139 = arith.cmpi slt, %add3A_137, %lt3A_138 : i32
      %convert_element_type3A_140 = arith.extui %lt3A_139 : i1 to i32
      %cond3A_141 = arith.constant 0 : i32
      %cond3A_142 = arith.cmpi ne, %convert_element_type3A_140, %cond3A_141 : i32
      scf.if %cond3A_142 {
        %add3A_143 = arith.constant 3 : i32
        %add3A_144 = arith.addi %mul3A_54, %add3A_143 : i32
        %mul3A_145 = arith.constant 32 : i32
        %mul3A_146 = arith.muli %add3A_144, %mul3A_145 : i32
        %add3A_147 = arith.addi %add3A, %mul3A_146 : i32
        %mul3A_148 = arith.constant 128 : i32
        %mul3A_149 = arith.muli %add3A_147, %mul3A_148 : i32
        %dma_start3A_150 = tpu.memref_slice %arg4[%mul3A_149] : memref<320000xi32, #tpu.memory_space<hbm>> -> memref<128xi32, #tpu.memory_space<hbm>>
        %dma_start3A_151 = tpu.memref_slice %arg4[%mul3A_149] : memref<320000xi32, #tpu.memory_space<hbm>> -> memref<128xi32, #tpu.memory_space<hbm>>
        tpu.enqueue_dma source(%dma_start3A_151 : memref<128xi32, #tpu.memory_space<hbm>>) target(%arg12 : memref<128xi32, #tpu.memory_space<vmem>>) target_semaphore(%arg21 : memref<!tpu.dma_semaphore, #tpu.memory_space<semaphore_mem>>)
      } else {
      }
    }
    %scan3A_44 = arith.constant 39 : i32
    %lt3A = arith.constant 4 : i32
    %lt3A_45 = arith.cmpi slt, %add3A, %lt3A : i32
    %convert_element_type3A = arith.extui %lt3A_45 : i1 to i32
    %cond3A = arith.constant 0 : i32
    %cond3A_46 = arith.cmpi ne, %convert_element_type3A, %cond3A : i32
    scf.if %cond3A_46 {
      %add3A_48 = arith.constant 2496 : i32
      %add3A_49 = arith.addi %add3A_48, %add3A : i32
      %mul3A_50 = arith.constant 128 : i32
      %mul3A_51 = arith.muli %add3A_49, %mul3A_50 : i32
      "tpu.region"() ({
        %run_scoped3A = tpu.sem_alloc : memref<!tpu.dma_semaphore, #tpu.memory_space<semaphore_mem>>
        %dma_start3A_75 = tpu.memref_slice %arg3[%mul3A_51] : memref<320000xi32, #tpu.memory_space<hbm>> -> memref<128xi32, #tpu.memory_space<hbm>>
        %dma_start3A_76 = tpu.memref_slice %arg3[%mul3A_51] : memref<320000xi32, #tpu.memory_space<hbm>> -> memref<128xi32, #tpu.memory_space<hbm>>
        tpu.enqueue_dma source(%dma_start3A_76 : memref<128xi32, #tpu.memory_space<hbm>>) target(%arg9 : memref<128xi32, #tpu.memory_space<vmem>>) target_semaphore(%run_scoped3A : memref<!tpu.dma_semaphore, #tpu.memory_space<semaphore_mem>>)
        %dma_wait3A_77 = tpu.memref_slice %arg3[%mul3A_51] : memref<320000xi32, #tpu.memory_space<hbm>> -> memref<128xi32, #tpu.memory_space<hbm>>
        %dma_wait3A_78 = tpu.memref_slice %arg3[%mul3A_51] : memref<320000xi32, #tpu.memory_space<hbm>> -> memref<128xi32, #tpu.memory_space<hbm>>
        tpu.wait_dma2 semaphore(%run_scoped3A : memref<!tpu.dma_semaphore, #tpu.memory_space<semaphore_mem>>) src(%dma_wait3A_78 : memref<128xi32, #tpu.memory_space<hbm>>) dst(%arg9 : memref<128xi32, #tpu.memory_space<vmem>>)
        tpu.yield
      }) : () -> ()
      %mul3A_52 = arith.constant 128 : i32
      %mul3A_53 = arith.muli %add3A_49, %mul3A_52 : i32
      "tpu.region"() ({
        %run_scoped3A = tpu.sem_alloc : memref<!tpu.dma_semaphore, #tpu.memory_space<semaphore_mem>>
        %dma_start3A_75 = tpu.memref_slice %arg4[%mul3A_53] : memref<320000xi32, #tpu.memory_space<hbm>> -> memref<128xi32, #tpu.memory_space<hbm>>
        %dma_start3A_76 = tpu.memref_slice %arg4[%mul3A_53] : memref<320000xi32, #tpu.memory_space<hbm>> -> memref<128xi32, #tpu.memory_space<hbm>>
        tpu.enqueue_dma source(%dma_start3A_76 : memref<128xi32, #tpu.memory_space<hbm>>) target(%arg11 : memref<128xi32, #tpu.memory_space<vmem>>) target_semaphore(%run_scoped3A : memref<!tpu.dma_semaphore, #tpu.memory_space<semaphore_mem>>)
        %dma_wait3A_77 = tpu.memref_slice %arg4[%mul3A_53] : memref<320000xi32, #tpu.memory_space<hbm>> -> memref<128xi32, #tpu.memory_space<hbm>>
        %dma_wait3A_78 = tpu.memref_slice %arg4[%mul3A_53] : memref<320000xi32, #tpu.memory_space<hbm>> -> memref<128xi32, #tpu.memory_space<hbm>>
        tpu.wait_dma2 semaphore(%run_scoped3A : memref<!tpu.dma_semaphore, #tpu.memory_space<semaphore_mem>>) src(%dma_wait3A_78 : memref<128xi32, #tpu.memory_space<hbm>>) dst(%arg11 : memref<128xi32, #tpu.memory_space<vmem>>)
        tpu.yield
      }) : () -> ()
      %get3A = arith.constant 0 : index
      %get3A_54 = tpu.vector_load %arg11[%get3A] {strides = array<i32>} : memref<128xi32, #tpu.memory_space<vmem>>, vector<16xi32>,
      tpu.vector_store_idx %arg22[%get3A_54], %broadcast_in_dim3A_3 {add = true} : memref<10112xf32, #tpu.memory_space<vmem>>[vector<16xi32>], vector<16xf32>,
      %get3A_55 = arith.constant 16 : index
      %get3A_56 = tpu.vector_load %arg11[%get3A_55] {strides = array<i32>} : memref<128xi32, #tpu.memory_space<vmem>>, vector<16xi32>,
      tpu.vector_store_idx %arg22[%get3A_56], %broadcast_in_dim3A_3 {add = true} : memref<10112xf32, #tpu.memory_space<vmem>>[vector<16xi32>], vector<16xf32>,
      %get3A_57 = arith.constant 32 : index
      %get3A_58 = tpu.vector_load %arg11[%get3A_57] {strides = array<i32>} : memref<128xi32, #tpu.memory_space<vmem>>, vector<16xi32>,
      tpu.vector_store_idx %arg22[%get3A_58], %broadcast_in_dim3A_3 {add = true} : memref<10112xf32, #tpu.memory_space<vmem>>[vector<16xi32>], vector<16xf32>,
      %get3A_59 = arith.constant 48 : index
      %get3A_60 = tpu.vector_load %arg11[%get3A_59] {strides = array<i32>} : memref<128xi32, #tpu.memory_space<vmem>>, vector<16xi32>,
      tpu.vector_store_idx %arg22[%get3A_60], %broadcast_in_dim3A_3 {add = true} : memref<10112xf32, #tpu.memory_space<vmem>>[vector<16xi32>], vector<16xf32>,
      %get3A_61 = arith.constant 64 : index
      %get3A_62 = tpu.vector_load %arg11[%get3A_61] {strides = array<i32>} : memref<128xi32, #tpu.memory_space<vmem>>, vector<16xi32>,
      tpu.vector_store_idx %arg22[%get3A_62], %broadcast_in_dim3A_3 {add = true} : memref<10112xf32, #tpu.memory_space<vmem>>[vector<16xi32>], vector<16xf32>,
      %get3A_63 = arith.constant 80 : index
      %get3A_64 = tpu.vector_load %arg11[%get3A_63] {strides = array<i32>} : memref<128xi32, #tpu.memory_space<vmem>>, vector<16xi32>,
      tpu.vector_store_idx %arg22[%get3A_64], %broadcast_in_dim3A_3 {add = true} : memref<10112xf32, #tpu.memory_space<vmem>>[vector<16xi32>], vector<16xf32>,
      %get3A_65 = arith.constant 96 : index
      %get3A_66 = tpu.vector_load %arg11[%get3A_65] {strides = array<i32>} : memref<128xi32, #tpu.memory_space<vmem>>, vector<16xi32>,
      tpu.vector_store_idx %arg22[%get3A_66], %broadcast_in_dim3A_3 {add = true} : memref<10112xf32, #tpu.memory_space<vmem>>[vector<16xi32>], vector<16xf32>,
      %get3A_67 = arith.constant 112 : index
      %get3A_68 = tpu.vector_load %arg11[%get3A_67] {strides = array<i32>} : memref<128xi32, #tpu.memory_space<vmem>>, vector<16xi32>,
      tpu.vector_store_idx %arg22[%get3A_68], %broadcast_in_dim3A_3 {add = true} : memref<10112xf32, #tpu.memory_space<vmem>>[vector<16xi32>], vector<16xf32>,
      %dma_start3A_69 = arith.constant 0 : i32
      %dma_start3A_70 = arith.constant 0 : i32
      %dma_start3A_71 = tpu.memref_slice %arg2[%dma_start3A_69, %dma_start3A_70] : memref<10000x128xf32, #tpu.memory_space<hbm>> -> memref<10000x128xf32, #tpu.memory_space<hbm>>
      tpu.enqueue_indirect_dma source(%dma_start3A_71 : memref<10000x128xf32, #tpu.memory_space<hbm>>) target(%arg13 : memref<128x128xf32, #tpu.memory_space<vmem>>) offsets(%arg9 : memref<128xi32, #tpu.memory_space<vmem>>) semaphore(%arg16 : memref<!tpu.dma_semaphore, #tpu.memory_space<semaphore_mem>>)
      %dma_wait3A_72 = arith.constant 0 : i32
      %dma_wait3A_73 = arith.constant 0 : i32
      %dma_wait3A_74 = tpu.memref_slice %arg2[%dma_wait3A_72, %dma_wait3A_73] : memref<10000x128xf32, #tpu.memory_space<hbm>> -> memref<10000x128xf32, #tpu.memory_space<hbm>>
      tpu.wait_indirect_dma semaphore(%arg16 : memref<!tpu.dma_semaphore, #tpu.memory_space<semaphore_mem>>) src(%dma_wait3A_74 : memref<10000x128xf32, #tpu.memory_space<hbm>>) dst(%arg13 : memref<128x128xf32, #tpu.memory_space<vmem>>)
      "tpu.region"() ({
        %run_scoped3A = tpu.sem_alloc : memref<!tpu.dma_semaphore, #tpu.memory_space<semaphore_mem>>
        %dma_start3A_75 = arith.constant 0 : i32
        %dma_start3A_76 = arith.constant 0 : i32
        %dma_start3A_77 = tpu.memref_slice %arg15[%dma_start3A_75, %dma_start3A_76] : memref<10112x128xf32, #tpu.memory_space<vmem_shared>> -> memref<10112x128xf32, #tpu.memory_space<vmem_shared>>
        tpu.enqueue_indirect_dma source(%arg13 : memref<128x128xf32, #tpu.memory_space<vmem>>) target(%dma_start3A_77 : memref<10112x128xf32, #tpu.memory_space<vmem_shared>>) offsets(%arg11 : memref<128xi32, #tpu.memory_space<vmem>>) semaphore(%run_scoped3A : memref<!tpu.dma_semaphore, #tpu.memory_space<semaphore_mem>>) {add = true}
        %dma_wait3A_78 = arith.constant 0 : i32
        %dma_wait3A_79 = arith.constant 0 : i32
        %dma_wait3A_80 = tpu.memref_slice %arg15[%dma_wait3A_78, %dma_wait3A_79] : memref<10112x128xf32, #tpu.memory_space<vmem_shared>> -> memref<10112x128xf32, #tpu.memory_space<vmem_shared>>
        tpu.wait_indirect_dma semaphore(%run_scoped3A : memref<!tpu.dma_semaphore, #tpu.memory_space<semaphore_mem>>) src(%arg13 : memref<128x128xf32, #tpu.memory_space<vmem>>) dst(%dma_wait3A_80 : memref<10112x128xf32, #tpu.memory_space<vmem_shared>>)
        tpu.yield
      }) : () -> ()
    } else {
    }
    %barrier3A_47 = arith.constant 0 : index
    tpu.barrier barrier_id(%barrier3A_47)
    "tpu.region"() ({
      %run_scoped3A = tpu.sem_alloc : memref<!tpu.dma_semaphore, #tpu.memory_space<semaphore_mem>>
      %dma_start3A_48 = arith.constant 0 : i32
      %dma_start3A_49 = tpu.memref_slice %arg7[%arg0, %mul3A_2, %dma_start3A_48] : memref<2x10112x128xf32, #tpu.memory_space<hbm>> -> memref<1x632x128xf32, #tpu.memory_space<hbm>>
      %dma_start3A_50 = tpu.memref_squeeze %dma_start3A_49 : memref<1x632x128xf32, #tpu.memory_space<hbm>> -> memref<632x128xf32, #tpu.memory_space<hbm>>
      %dma_start3A_51 = arith.constant 0 : i32
      %dma_start3A_52 = tpu.memref_slice %arg15[%mul3A_2, %dma_start3A_51] : memref<10112x128xf32, #tpu.memory_space<vmem_shared>> -> memref<632x128xf32, #tpu.memory_space<vmem_shared>>
      tpu.enqueue_dma source(%dma_start3A_52 : memref<632x128xf32, #tpu.memory_space<vmem_shared>>) target(%dma_start3A_50 : memref<632x128xf32, #tpu.memory_space<hbm>>) target_semaphore(%run_scoped3A : memref<!tpu.dma_semaphore, #tpu.memory_space<semaphore_mem>>)
      %dma_wait3A_53 = arith.constant 0 : i32
      %dma_wait3A_54 = tpu.memref_slice %arg7[%arg0, %mul3A_2, %dma_wait3A_53] : memref<2x10112x128xf32, #tpu.memory_space<hbm>> -> memref<1x632x128xf32, #tpu.memory_space<hbm>>
      %dma_wait3A_55 = tpu.memref_squeeze %dma_wait3A_54 : memref<1x632x128xf32, #tpu.memory_space<hbm>> -> memref<632x128xf32, #tpu.memory_space<hbm>>
      %dma_wait3A_56 = arith.constant 0 : i32
      %dma_wait3A_57 = tpu.memref_slice %arg15[%mul3A_2, %dma_wait3A_56] : memref<10112x128xf32, #tpu.memory_space<vmem_shared>> -> memref<632x128xf32, #tpu.memory_space<vmem_shared>>
      tpu.wait_dma2 semaphore(%run_scoped3A : memref<!tpu.dma_semaphore, #tpu.memory_space<semaphore_mem>>) src(%dma_wait3A_57 : memref<632x128xf32, #tpu.memory_space<vmem_shared>>) dst(%dma_wait3A_55 : memref<632x128xf32, #tpu.memory_space<hbm>>)
      tpu.yield
    }) : () -> ()
    "tpu.region"() ({
      %run_scoped3A = tpu.sem_alloc : memref<!tpu.dma_semaphore, #tpu.memory_space<semaphore_mem>>
      %dma_start3A_48 = arith.constant 0 : i32
      %dma_start3A_49 = tpu.memref_slice %arg8[%add3A, %dma_start3A_48] : memref<32x10112xf32, #tpu.memory_space<hbm>> -> memref<1x10112xf32, #tpu.memory_space<hbm>>
      %dma_start3A_50 = tpu.memref_squeeze %dma_start3A_49 : memref<1x10112xf32, #tpu.memory_space<hbm>> -> memref<10112xf32, #tpu.memory_space<hbm>>
      %dma_start3A_51 = arith.constant 0 : i32
      %dma_start3A_52 = tpu.memref_slice %arg8[%add3A, %dma_start3A_51] : memref<32x10112xf32, #tpu.memory_space<hbm>> -> memref<1x10112xf32, #tpu.memory_space<hbm>>
      %dma_start3A_53 = tpu.memref_squeeze %dma_start3A_52 : memref<1x10112xf32, #tpu.memory_space<hbm>> -> memref<10112xf32, #tpu.memory_space<hbm>>
      tpu.enqueue_dma source(%arg22 : memref<10112xf32, #tpu.memory_space<vmem>>) target(%dma_start3A_53 : memref<10112xf32, #tpu.memory_space<hbm>>) target_semaphore(%run_scoped3A : memref<!tpu.dma_semaphore, #tpu.memory_space<semaphore_mem>>)
      %dma_wait3A_54 = arith.constant 0 : i32
      %dma_wait3A_55 = tpu.memref_slice %arg8[%add3A, %dma_wait3A_54] : memref<32x10112xf32, #tpu.memory_space<hbm>> -> memref<1x10112xf32, #tpu.memory_space<hbm>>
      %dma_wait3A_56 = tpu.memref_squeeze %dma_wait3A_55 : memref<1x10112xf32, #tpu.memory_space<hbm>> -> memref<10112xf32, #tpu.memory_space<hbm>>
      %dma_wait3A_57 = arith.constant 0 : i32
      %dma_wait3A_58 = tpu.memref_slice %arg8[%add3A, %dma_wait3A_57] : memref<32x10112xf32, #tpu.memory_space<hbm>> -> memref<1x10112xf32, #tpu.memory_space<hbm>>
      %dma_wait3A_59 = tpu.memref_squeeze %dma_wait3A_58 : memref<1x10112xf32, #tpu.memory_space<hbm>> -> memref<10112xf32, #tpu.memory_space<hbm>>
      tpu.wait_dma2 semaphore(%run_scoped3A : memref<!tpu.dma_semaphore, #tpu.memory_space<semaphore_mem>>) src(%arg22 : memref<10112xf32, #tpu.memory_space<vmem>>) dst(%dma_wait3A_59 : memref<10112xf32, #tpu.memory_space<hbm>>)
      tpu.yield
    }) : () -> ()
    return
  }
}

#map = affine_map<(d0, d1) -> (0, 0)>
#map1 = affine_map<(d0, d1) -> (0)>
#map2 = affine_map<(d0, d1) -> (0, 0, 0)>
module attributes {stable_mosaic.version = 14 : i64} {
  func.func @sc_agg(%arg0: i32, %arg1: i32, %arg2: memref<10000x128xf32, #tpu.memory_space<hbm>>, %arg3: memref<320000xi32, #tpu.memory_space<hbm>>, %arg4: memref<320000xi32, #tpu.memory_space<hbm>>, %arg5: memref<10112x128xf32, #tpu.memory_space<hbm>>, %arg6: memref<2x10112x128xf32, #tpu.memory_space<hbm>>, %arg7: memref<128xi32, #tpu.memory_space<vmem>>, %arg8: memref<128xi32, #tpu.memory_space<vmem>>, %arg9: memref<128xi32, #tpu.memory_space<vmem>>, %arg10: memref<128xi32, #tpu.memory_space<vmem>>, %arg11: memref<128x128xf32, #tpu.memory_space<vmem>>, %arg12: memref<128x128xf32, #tpu.memory_space<vmem>>, %arg13: memref<10112x128xf32, #tpu.memory_space<vmem_shared>>, %arg14: memref<!tpu.dma_semaphore, #tpu.memory_space<semaphore_mem>>, %arg15: memref<!tpu.dma_semaphore, #tpu.memory_space<semaphore_mem>>, %arg16: memref<!tpu.dma_semaphore, #tpu.memory_space<semaphore_mem>>, %arg17: memref<!tpu.dma_semaphore, #tpu.memory_space<semaphore_mem>>, %arg18: memref<!tpu.dma_semaphore, #tpu.memory_space<semaphore_mem>>, %arg19: memref<!tpu.dma_semaphore, #tpu.memory_space<semaphore_mem>>) attributes {dimension_semantics = [#tpu.dimension_semantics<core_parallel>, #tpu.dimension_semantics<subcore_parallel>], iteration_bounds = array<i64: 2, 16>, scalar_prefetch = 0 : i64, scratch_operands = 13 : i64, tpu.core_type = #tpu.core_type<sc_vector_subcore>, window_params = [{transform_indices = #map}, {transform_indices = #map1}, {transform_indices = #map1}, {transform_indices = #map}, {transform_indices = #map2}]} {
    %mul3A = arith.constant 16 : i32
    %mul3A_0 = arith.muli %arg0, %mul3A : i32
    %add3A = arith.addi %mul3A_0, %arg1 : i32
    %mul3A_1 = arith.constant 632 : i32
    %mul3A_2 = arith.muli %arg1, %mul3A_1 : i32
    "tpu.region"() ({
      %run_scoped3A = tpu.sem_alloc : memref<!tpu.dma_semaphore, #tpu.memory_space<semaphore_mem>>
      %dma_start3A_48 = arith.constant 0 : i32
      %dma_start3A_49 = tpu.memref_slice %arg13[%mul3A_2, %dma_start3A_48] : memref<10112x128xf32, #tpu.memory_space<vmem_shared>> -> memref<632x128xf32, #tpu.memory_space<vmem_shared>>
      %dma_start3A_50 = arith.constant 0 : i32
      %dma_start3A_51 = tpu.memref_slice %arg5[%mul3A_2, %dma_start3A_50] : memref<10112x128xf32, #tpu.memory_space<hbm>> -> memref<632x128xf32, #tpu.memory_space<hbm>>
      tpu.enqueue_dma source(%dma_start3A_51 : memref<632x128xf32, #tpu.memory_space<hbm>>) target(%dma_start3A_49 : memref<632x128xf32, #tpu.memory_space<vmem_shared>>) target_semaphore(%run_scoped3A : memref<!tpu.dma_semaphore, #tpu.memory_space<semaphore_mem>>)
      %dma_wait3A_52 = arith.constant 0 : i32
      %dma_wait3A_53 = tpu.memref_slice %arg13[%mul3A_2, %dma_wait3A_52] : memref<10112x128xf32, #tpu.memory_space<vmem_shared>> -> memref<632x128xf32, #tpu.memory_space<vmem_shared>>
      %dma_wait3A_54 = arith.constant 0 : i32
      %dma_wait3A_55 = tpu.memref_slice %arg5[%mul3A_2, %dma_wait3A_54] : memref<10112x128xf32, #tpu.memory_space<hbm>> -> memref<632x128xf32, #tpu.memory_space<hbm>>
      tpu.wait_dma2 semaphore(%run_scoped3A : memref<!tpu.dma_semaphore, #tpu.memory_space<semaphore_mem>>) src(%dma_wait3A_55 : memref<632x128xf32, #tpu.memory_space<hbm>>) dst(%dma_wait3A_53 : memref<632x128xf32, #tpu.memory_space<vmem_shared>>)
      tpu.yield
    }) : () -> ()
    %barrier3A = arith.constant 0 : index
    tpu.barrier barrier_id(%barrier3A)
    %broadcast_in_dim3A = arith.constant 1.000000e+00 : f32
    %broadcast_in_dim3A_3 = vector.broadcast %broadcast_in_dim3A : f32 to vector<16xf32>
    %add3A_4 = arith.constant 0 : i32
    %add3A_5 = arith.addi %add3A, %add3A_4 : i32
    %mul3A_6 = arith.constant 128 : i32
    %mul3A_7 = arith.muli %add3A_5, %mul3A_6 : i32
    %dma_start3A = tpu.memref_slice %arg3[%mul3A_7] : memref<320000xi32, #tpu.memory_space<hbm>> -> memref<128xi32, #tpu.memory_space<hbm>>
    %dma_start3A_8 = tpu.memref_slice %arg3[%mul3A_7] : memref<320000xi32, #tpu.memory_space<hbm>> -> memref<128xi32, #tpu.memory_space<hbm>>
    tpu.enqueue_dma source(%dma_start3A_8 : memref<128xi32, #tpu.memory_space<hbm>>) target(%arg7 : memref<128xi32, #tpu.memory_space<vmem>>) target_semaphore(%arg16 : memref<!tpu.dma_semaphore, #tpu.memory_space<semaphore_mem>>)
    %add3A_9 = arith.constant 0 : i32
    %add3A_10 = arith.addi %add3A, %add3A_9 : i32
    %mul3A_11 = arith.constant 128 : i32
    %mul3A_12 = arith.muli %add3A_10, %mul3A_11 : i32
    %dma_start3A_13 = tpu.memref_slice %arg4[%mul3A_12] : memref<320000xi32, #tpu.memory_space<hbm>> -> memref<128xi32, #tpu.memory_space<hbm>>
    %dma_start3A_14 = tpu.memref_slice %arg4[%mul3A_12] : memref<320000xi32, #tpu.memory_space<hbm>> -> memref<128xi32, #tpu.memory_space<hbm>>
    tpu.enqueue_dma source(%dma_start3A_14 : memref<128xi32, #tpu.memory_space<hbm>>) target(%arg9 : memref<128xi32, #tpu.memory_space<vmem>>) target_semaphore(%arg18 : memref<!tpu.dma_semaphore, #tpu.memory_space<semaphore_mem>>)
    %add3A_15 = arith.constant 32 : i32
    %add3A_16 = arith.addi %add3A, %add3A_15 : i32
    %mul3A_17 = arith.constant 128 : i32
    %mul3A_18 = arith.muli %add3A_16, %mul3A_17 : i32
    %dma_start3A_19 = tpu.memref_slice %arg3[%mul3A_18] : memref<320000xi32, #tpu.memory_space<hbm>> -> memref<128xi32, #tpu.memory_space<hbm>>
    %dma_start3A_20 = tpu.memref_slice %arg3[%mul3A_18] : memref<320000xi32, #tpu.memory_space<hbm>> -> memref<128xi32, #tpu.memory_space<hbm>>
    tpu.enqueue_dma source(%dma_start3A_20 : memref<128xi32, #tpu.memory_space<hbm>>) target(%arg8 : memref<128xi32, #tpu.memory_space<vmem>>) target_semaphore(%arg17 : memref<!tpu.dma_semaphore, #tpu.memory_space<semaphore_mem>>)
    %add3A_21 = arith.constant 32 : i32
    %add3A_22 = arith.addi %add3A, %add3A_21 : i32
    %mul3A_23 = arith.constant 128 : i32
    %mul3A_24 = arith.muli %add3A_22, %mul3A_23 : i32
    %dma_start3A_25 = tpu.memref_slice %arg4[%mul3A_24] : memref<320000xi32, #tpu.memory_space<hbm>> -> memref<128xi32, #tpu.memory_space<hbm>>
    %dma_start3A_26 = tpu.memref_slice %arg4[%mul3A_24] : memref<320000xi32, #tpu.memory_space<hbm>> -> memref<128xi32, #tpu.memory_space<hbm>>
    tpu.enqueue_dma source(%dma_start3A_26 : memref<128xi32, #tpu.memory_space<hbm>>) target(%arg10 : memref<128xi32, #tpu.memory_space<vmem>>) target_semaphore(%arg19 : memref<!tpu.dma_semaphore, #tpu.memory_space<semaphore_mem>>)
    %add3A_27 = arith.constant 0 : i32
    %add3A_28 = arith.addi %add3A, %add3A_27 : i32
    %mul3A_29 = arith.constant 128 : i32
    %mul3A_30 = arith.muli %add3A_28, %mul3A_29 : i32
    %dma_wait3A = tpu.memref_slice %arg3[%mul3A_30] : memref<320000xi32, #tpu.memory_space<hbm>> -> memref<128xi32, #tpu.memory_space<hbm>>
    %dma_wait3A_31 = tpu.memref_slice %arg3[%mul3A_30] : memref<320000xi32, #tpu.memory_space<hbm>> -> memref<128xi32, #tpu.memory_space<hbm>>
    tpu.wait_dma2 semaphore(%arg16 : memref<!tpu.dma_semaphore, #tpu.memory_space<semaphore_mem>>) src(%dma_wait3A_31 : memref<128xi32, #tpu.memory_space<hbm>>) dst(%arg7 : memref<128xi32, #tpu.memory_space<vmem>>)
    %dma_start3A_32 = arith.constant 0 : i32
    %dma_start3A_33 = arith.constant 0 : i32
    %dma_start3A_34 = tpu.memref_slice %arg2[%dma_start3A_32, %dma_start3A_33] : memref<10000x128xf32, #tpu.memory_space<hbm>> -> memref<10000x128xf32, #tpu.memory_space<hbm>>
    tpu.enqueue_indirect_dma source(%dma_start3A_34 : memref<10000x128xf32, #tpu.memory_space<hbm>>) target(%arg11 : memref<128x128xf32, #tpu.memory_space<vmem>>) offsets(%arg7 : memref<128xi32, #tpu.memory_space<vmem>>) semaphore(%arg14 : memref<!tpu.dma_semaphore, #tpu.memory_space<semaphore_mem>>)
    %add3A_35 = arith.constant 32 : i32
    %add3A_36 = arith.addi %add3A, %add3A_35 : i32
    %mul3A_37 = arith.constant 128 : i32
    %mul3A_38 = arith.muli %add3A_36, %mul3A_37 : i32
    %dma_wait3A_39 = tpu.memref_slice %arg3[%mul3A_38] : memref<320000xi32, #tpu.memory_space<hbm>> -> memref<128xi32, #tpu.memory_space<hbm>>
    %dma_wait3A_40 = tpu.memref_slice %arg3[%mul3A_38] : memref<320000xi32, #tpu.memory_space<hbm>> -> memref<128xi32, #tpu.memory_space<hbm>>
    tpu.wait_dma2 semaphore(%arg17 : memref<!tpu.dma_semaphore, #tpu.memory_space<semaphore_mem>>) src(%dma_wait3A_40 : memref<128xi32, #tpu.memory_space<hbm>>) dst(%arg8 : memref<128xi32, #tpu.memory_space<vmem>>)
    %scan3A = arith.constant 0 : i32
    %scan3A_41 = arith.constant 39 : i32
    %scan3A_42 = arith.addi %scan3A, %scan3A_41 : i32
    %scan3A_43 = arith.constant 1 : i32
    scf.for %scan3A_48 = %scan3A to %scan3A_42 step %scan3A_43  : i32 {
      %mul3A_49 = arith.constant 1 : i32
      %mul3A_50 = arith.muli %scan3A_48, %mul3A_49 : i32
      %add3A_51 = arith.constant 0 : i32
      %add3A_52 = arith.addi %add3A_51, %mul3A_50 : i32
      %mul3A_53 = arith.constant 2 : i32
      %mul3A_54 = arith.muli %mul3A_53, %add3A_52 : i32
      %gt3A = arith.constant 0 : i32
      %gt3A_55 = arith.cmpi sgt, %mul3A_54, %gt3A : i32
      %convert_element_type3A_56 = arith.extui %gt3A_55 : i1 to i32
      %cond3A_57 = arith.constant 0 : i32
      %cond3A_58 = arith.cmpi ne, %convert_element_type3A_56, %cond3A_57 : i32
      scf.if %cond3A_58 {
        %add3A_112 = arith.constant 1 : i32
        %add3A_113 = arith.addi %mul3A_54, %add3A_112 : i32
        %mul3A_114 = arith.constant 32 : i32
        %mul3A_115 = arith.muli %add3A_113, %mul3A_114 : i32
        %add3A_116 = arith.addi %add3A, %mul3A_115 : i32
        %mul3A_117 = arith.constant 128 : i32
        %mul3A_118 = arith.muli %add3A_116, %mul3A_117 : i32
        %dma_wait3A_119 = tpu.memref_slice %arg3[%mul3A_118] : memref<320000xi32, #tpu.memory_space<hbm>> -> memref<128xi32, #tpu.memory_space<hbm>>
        %dma_wait3A_120 = tpu.memref_slice %arg3[%mul3A_118] : memref<320000xi32, #tpu.memory_space<hbm>> -> memref<128xi32, #tpu.memory_space<hbm>>
        tpu.wait_dma2 semaphore(%arg17 : memref<!tpu.dma_semaphore, #tpu.memory_space<semaphore_mem>>) src(%dma_wait3A_120 : memref<128xi32, #tpu.memory_space<hbm>>) dst(%arg8 : memref<128xi32, #tpu.memory_space<vmem>>)
      } else {
      }
      %dma_start3A_59 = arith.constant 0 : i32
      %dma_start3A_60 = arith.constant 0 : i32
      %dma_start3A_61 = tpu.memref_slice %arg2[%dma_start3A_59, %dma_start3A_60] : memref<10000x128xf32, #tpu.memory_space<hbm>> -> memref<10000x128xf32, #tpu.memory_space<hbm>>
      tpu.enqueue_indirect_dma source(%dma_start3A_61 : memref<10000x128xf32, #tpu.memory_space<hbm>>) target(%arg12 : memref<128x128xf32, #tpu.memory_space<vmem>>) offsets(%arg8 : memref<128xi32, #tpu.memory_space<vmem>>) semaphore(%arg15 : memref<!tpu.dma_semaphore, #tpu.memory_space<semaphore_mem>>)
      %dma_wait3A_62 = arith.constant 0 : i32
      %dma_wait3A_63 = arith.constant 0 : i32
      %dma_wait3A_64 = tpu.memref_slice %arg2[%dma_wait3A_62, %dma_wait3A_63] : memref<10000x128xf32, #tpu.memory_space<hbm>> -> memref<10000x128xf32, #tpu.memory_space<hbm>>
      tpu.wait_indirect_dma semaphore(%arg14 : memref<!tpu.dma_semaphore, #tpu.memory_space<semaphore_mem>>) src(%dma_wait3A_64 : memref<10000x128xf32, #tpu.memory_space<hbm>>) dst(%arg11 : memref<128x128xf32, #tpu.memory_space<vmem>>)
      %add3A_65 = arith.constant 2 : i32
      %add3A_66 = arith.addi %mul3A_54, %add3A_65 : i32
      %lt3A_67 = arith.constant 78 : i32
      %lt3A_68 = arith.cmpi slt, %add3A_66, %lt3A_67 : i32
      %convert_element_type3A_69 = arith.extui %lt3A_68 : i1 to i32
      %cond3A_70 = arith.constant 0 : i32
      %cond3A_71 = arith.cmpi ne, %convert_element_type3A_69, %cond3A_70 : i32
      scf.if %cond3A_71 {
        %add3A_112 = arith.constant 2 : i32
        %add3A_113 = arith.addi %mul3A_54, %add3A_112 : i32
        %mul3A_114 = arith.constant 32 : i32
        %mul3A_115 = arith.muli %add3A_113, %mul3A_114 : i32
        %add3A_116 = arith.addi %add3A, %mul3A_115 : i32
        %mul3A_117 = arith.constant 128 : i32
        %mul3A_118 = arith.muli %add3A_116, %mul3A_117 : i32
        %dma_start3A_119 = tpu.memref_slice %arg3[%mul3A_118] : memref<320000xi32, #tpu.memory_space<hbm>> -> memref<128xi32, #tpu.memory_space<hbm>>
        %dma_start3A_120 = tpu.memref_slice %arg3[%mul3A_118] : memref<320000xi32, #tpu.memory_space<hbm>> -> memref<128xi32, #tpu.memory_space<hbm>>
        tpu.enqueue_dma source(%dma_start3A_120 : memref<128xi32, #tpu.memory_space<hbm>>) target(%arg7 : memref<128xi32, #tpu.memory_space<vmem>>) target_semaphore(%arg16 : memref<!tpu.dma_semaphore, #tpu.memory_space<semaphore_mem>>)
      } else {
      }
      %mul3A_72 = arith.constant 32 : i32
      %mul3A_73 = arith.muli %mul3A_54, %mul3A_72 : i32
      %add3A_74 = arith.addi %add3A, %mul3A_73 : i32
      %mul3A_75 = arith.constant 128 : i32
      %mul3A_76 = arith.muli %add3A_74, %mul3A_75 : i32
      %dma_wait3A_77 = tpu.memref_slice %arg4[%mul3A_76] : memref<320000xi32, #tpu.memory_space<hbm>> -> memref<128xi32, #tpu.memory_space<hbm>>
      %dma_wait3A_78 = tpu.memref_slice %arg4[%mul3A_76] : memref<320000xi32, #tpu.memory_space<hbm>> -> memref<128xi32, #tpu.memory_space<hbm>>
      tpu.wait_dma2 semaphore(%arg18 : memref<!tpu.dma_semaphore, #tpu.memory_space<semaphore_mem>>) src(%dma_wait3A_78 : memref<128xi32, #tpu.memory_space<hbm>>) dst(%arg9 : memref<128xi32, #tpu.memory_space<vmem>>)
      "tpu.region"() ({
        %run_scoped3A = tpu.sem_alloc : memref<!tpu.dma_semaphore, #tpu.memory_space<semaphore_mem>>
        %dma_start3A_112 = arith.constant 0 : i32
        %dma_start3A_113 = arith.constant 0 : i32
        %dma_start3A_114 = tpu.memref_slice %arg13[%dma_start3A_112, %dma_start3A_113] : memref<10112x128xf32, #tpu.memory_space<vmem_shared>> -> memref<10112x128xf32, #tpu.memory_space<vmem_shared>>
        tpu.enqueue_indirect_dma source(%arg11 : memref<128x128xf32, #tpu.memory_space<vmem>>) target(%dma_start3A_114 : memref<10112x128xf32, #tpu.memory_space<vmem_shared>>) offsets(%arg9 : memref<128xi32, #tpu.memory_space<vmem>>) semaphore(%run_scoped3A : memref<!tpu.dma_semaphore, #tpu.memory_space<semaphore_mem>>) {add = true}
        %dma_wait3A_115 = arith.constant 0 : i32
        %dma_wait3A_116 = arith.constant 0 : i32
        %dma_wait3A_117 = tpu.memref_slice %arg13[%dma_wait3A_115, %dma_wait3A_116] : memref<10112x128xf32, #tpu.memory_space<vmem_shared>> -> memref<10112x128xf32, #tpu.memory_space<vmem_shared>>
        tpu.wait_indirect_dma semaphore(%run_scoped3A : memref<!tpu.dma_semaphore, #tpu.memory_space<semaphore_mem>>) src(%arg11 : memref<128x128xf32, #tpu.memory_space<vmem>>) dst(%dma_wait3A_117 : memref<10112x128xf32, #tpu.memory_space<vmem_shared>>)
        tpu.yield
      }) : () -> ()
      %add3A_79 = arith.constant 2 : i32
      %add3A_80 = arith.addi %mul3A_54, %add3A_79 : i32
      %lt3A_81 = arith.constant 78 : i32
      %lt3A_82 = arith.cmpi slt, %add3A_80, %lt3A_81 : i32
      %convert_element_type3A_83 = arith.extui %lt3A_82 : i1 to i32
      %cond3A_84 = arith.constant 0 : i32
      %cond3A_85 = arith.cmpi ne, %convert_element_type3A_83, %cond3A_84 : i32
      scf.if %cond3A_85 {
        %add3A_112 = arith.constant 2 : i32
        %add3A_113 = arith.addi %mul3A_54, %add3A_112 : i32
        %mul3A_114 = arith.constant 32 : i32
        %mul3A_115 = arith.muli %add3A_113, %mul3A_114 : i32
        %add3A_116 = arith.addi %add3A, %mul3A_115 : i32
        %mul3A_117 = arith.constant 128 : i32
        %mul3A_118 = arith.muli %add3A_116, %mul3A_117 : i32
        %dma_start3A_119 = tpu.memref_slice %arg4[%mul3A_118] : memref<320000xi32, #tpu.memory_space<hbm>> -> memref<128xi32, #tpu.memory_space<hbm>>
        %dma_start3A_120 = tpu.memref_slice %arg4[%mul3A_118] : memref<320000xi32, #tpu.memory_space<hbm>> -> memref<128xi32, #tpu.memory_space<hbm>>
        tpu.enqueue_dma source(%dma_start3A_120 : memref<128xi32, #tpu.memory_space<hbm>>) target(%arg9 : memref<128xi32, #tpu.memory_space<vmem>>) target_semaphore(%arg18 : memref<!tpu.dma_semaphore, #tpu.memory_space<semaphore_mem>>)
        %add3A_121 = arith.constant 2 : i32
        %add3A_122 = arith.addi %mul3A_54, %add3A_121 : i32
        %mul3A_123 = arith.constant 32 : i32
        %mul3A_124 = arith.muli %add3A_122, %mul3A_123 : i32
        %add3A_125 = arith.addi %add3A, %mul3A_124 : i32
        %mul3A_126 = arith.constant 128 : i32
        %mul3A_127 = arith.muli %add3A_125, %mul3A_126 : i32
        %dma_wait3A_128 = tpu.memref_slice %arg3[%mul3A_127] : memref<320000xi32, #tpu.memory_space<hbm>> -> memref<128xi32, #tpu.memory_space<hbm>>
        %dma_wait3A_129 = tpu.memref_slice %arg3[%mul3A_127] : memref<320000xi32, #tpu.memory_space<hbm>> -> memref<128xi32, #tpu.memory_space<hbm>>
        tpu.wait_dma2 semaphore(%arg16 : memref<!tpu.dma_semaphore, #tpu.memory_space<semaphore_mem>>) src(%dma_wait3A_129 : memref<128xi32, #tpu.memory_space<hbm>>) dst(%arg7 : memref<128xi32, #tpu.memory_space<vmem>>)
        %dma_start3A_130 = arith.constant 0 : i32
        %dma_start3A_131 = arith.constant 0 : i32
        %dma_start3A_132 = tpu.memref_slice %arg2[%dma_start3A_130, %dma_start3A_131] : memref<10000x128xf32, #tpu.memory_space<hbm>> -> memref<10000x128xf32, #tpu.memory_space<hbm>>
        tpu.enqueue_indirect_dma source(%dma_start3A_132 : memref<10000x128xf32, #tpu.memory_space<hbm>>) target(%arg11 : memref<128x128xf32, #tpu.memory_space<vmem>>) offsets(%arg7 : memref<128xi32, #tpu.memory_space<vmem>>) semaphore(%arg14 : memref<!tpu.dma_semaphore, #tpu.memory_space<semaphore_mem>>)
      } else {
      }
      %dma_wait3A_86 = arith.constant 0 : i32
      %dma_wait3A_87 = arith.constant 0 : i32
      %dma_wait3A_88 = tpu.memref_slice %arg2[%dma_wait3A_86, %dma_wait3A_87] : memref<10000x128xf32, #tpu.memory_space<hbm>> -> memref<10000x128xf32, #tpu.memory_space<hbm>>
      tpu.wait_indirect_dma semaphore(%arg15 : memref<!tpu.dma_semaphore, #tpu.memory_space<semaphore_mem>>) src(%dma_wait3A_88 : memref<10000x128xf32, #tpu.memory_space<hbm>>) dst(%arg12 : memref<128x128xf32, #tpu.memory_space<vmem>>)
      %add3A_89 = arith.constant 3 : i32
      %add3A_90 = arith.addi %mul3A_54, %add3A_89 : i32
      %lt3A_91 = arith.constant 78 : i32
      %lt3A_92 = arith.cmpi slt, %add3A_90, %lt3A_91 : i32
      %convert_element_type3A_93 = arith.extui %lt3A_92 : i1 to i32
      %cond3A_94 = arith.constant 0 : i32
      %cond3A_95 = arith.cmpi ne, %convert_element_type3A_93, %cond3A_94 : i32
      scf.if %cond3A_95 {
        %add3A_112 = arith.constant 3 : i32
        %add3A_113 = arith.addi %mul3A_54, %add3A_112 : i32
        %mul3A_114 = arith.constant 32 : i32
        %mul3A_115 = arith.muli %add3A_113, %mul3A_114 : i32
        %add3A_116 = arith.addi %add3A, %mul3A_115 : i32
        %mul3A_117 = arith.constant 128 : i32
        %mul3A_118 = arith.muli %add3A_116, %mul3A_117 : i32
        %dma_start3A_119 = tpu.memref_slice %arg3[%mul3A_118] : memref<320000xi32, #tpu.memory_space<hbm>> -> memref<128xi32, #tpu.memory_space<hbm>>
        %dma_start3A_120 = tpu.memref_slice %arg3[%mul3A_118] : memref<320000xi32, #tpu.memory_space<hbm>> -> memref<128xi32, #tpu.memory_space<hbm>>
        tpu.enqueue_dma source(%dma_start3A_120 : memref<128xi32, #tpu.memory_space<hbm>>) target(%arg8 : memref<128xi32, #tpu.memory_space<vmem>>) target_semaphore(%arg17 : memref<!tpu.dma_semaphore, #tpu.memory_space<semaphore_mem>>)
      } else {
      }
      %add3A_96 = arith.constant 1 : i32
      %add3A_97 = arith.addi %mul3A_54, %add3A_96 : i32
      %mul3A_98 = arith.constant 32 : i32
      %mul3A_99 = arith.muli %add3A_97, %mul3A_98 : i32
      %add3A_100 = arith.addi %add3A, %mul3A_99 : i32
      %mul3A_101 = arith.constant 128 : i32
      %mul3A_102 = arith.muli %add3A_100, %mul3A_101 : i32
      %dma_wait3A_103 = tpu.memref_slice %arg4[%mul3A_102] : memref<320000xi32, #tpu.memory_space<hbm>> -> memref<128xi32, #tpu.memory_space<hbm>>
      %dma_wait3A_104 = tpu.memref_slice %arg4[%mul3A_102] : memref<320000xi32, #tpu.memory_space<hbm>> -> memref<128xi32, #tpu.memory_space<hbm>>
      tpu.wait_dma2 semaphore(%arg19 : memref<!tpu.dma_semaphore, #tpu.memory_space<semaphore_mem>>) src(%dma_wait3A_104 : memref<128xi32, #tpu.memory_space<hbm>>) dst(%arg10 : memref<128xi32, #tpu.memory_space<vmem>>)
      "tpu.region"() ({
        %run_scoped3A = tpu.sem_alloc : memref<!tpu.dma_semaphore, #tpu.memory_space<semaphore_mem>>
        %dma_start3A_112 = arith.constant 0 : i32
        %dma_start3A_113 = arith.constant 0 : i32
        %dma_start3A_114 = tpu.memref_slice %arg13[%dma_start3A_112, %dma_start3A_113] : memref<10112x128xf32, #tpu.memory_space<vmem_shared>> -> memref<10112x128xf32, #tpu.memory_space<vmem_shared>>
        tpu.enqueue_indirect_dma source(%arg12 : memref<128x128xf32, #tpu.memory_space<vmem>>) target(%dma_start3A_114 : memref<10112x128xf32, #tpu.memory_space<vmem_shared>>) offsets(%arg10 : memref<128xi32, #tpu.memory_space<vmem>>) semaphore(%run_scoped3A : memref<!tpu.dma_semaphore, #tpu.memory_space<semaphore_mem>>) {add = true}
        %dma_wait3A_115 = arith.constant 0 : i32
        %dma_wait3A_116 = arith.constant 0 : i32
        %dma_wait3A_117 = tpu.memref_slice %arg13[%dma_wait3A_115, %dma_wait3A_116] : memref<10112x128xf32, #tpu.memory_space<vmem_shared>> -> memref<10112x128xf32, #tpu.memory_space<vmem_shared>>
        tpu.wait_indirect_dma semaphore(%run_scoped3A : memref<!tpu.dma_semaphore, #tpu.memory_space<semaphore_mem>>) src(%arg12 : memref<128x128xf32, #tpu.memory_space<vmem>>) dst(%dma_wait3A_117 : memref<10112x128xf32, #tpu.memory_space<vmem_shared>>)
        tpu.yield
      }) : () -> ()
      %add3A_105 = arith.constant 3 : i32
      %add3A_106 = arith.addi %mul3A_54, %add3A_105 : i32
      %lt3A_107 = arith.constant 78 : i32
      %lt3A_108 = arith.cmpi slt, %add3A_106, %lt3A_107 : i32
      %convert_element_type3A_109 = arith.extui %lt3A_108 : i1 to i32
      %cond3A_110 = arith.constant 0 : i32
      %cond3A_111 = arith.cmpi ne, %convert_element_type3A_109, %cond3A_110 : i32
      scf.if %cond3A_111 {
        %add3A_112 = arith.constant 3 : i32
        %add3A_113 = arith.addi %mul3A_54, %add3A_112 : i32
        %mul3A_114 = arith.constant 32 : i32
        %mul3A_115 = arith.muli %add3A_113, %mul3A_114 : i32
        %add3A_116 = arith.addi %add3A, %mul3A_115 : i32
        %mul3A_117 = arith.constant 128 : i32
        %mul3A_118 = arith.muli %add3A_116, %mul3A_117 : i32
        %dma_start3A_119 = tpu.memref_slice %arg4[%mul3A_118] : memref<320000xi32, #tpu.memory_space<hbm>> -> memref<128xi32, #tpu.memory_space<hbm>>
        %dma_start3A_120 = tpu.memref_slice %arg4[%mul3A_118] : memref<320000xi32, #tpu.memory_space<hbm>> -> memref<128xi32, #tpu.memory_space<hbm>>
        tpu.enqueue_dma source(%dma_start3A_120 : memref<128xi32, #tpu.memory_space<hbm>>) target(%arg10 : memref<128xi32, #tpu.memory_space<vmem>>) target_semaphore(%arg19 : memref<!tpu.dma_semaphore, #tpu.memory_space<semaphore_mem>>)
      } else {
      }
    }
    %scan3A_44 = arith.constant 39 : i32
    %lt3A = arith.constant 4 : i32
    %lt3A_45 = arith.cmpi slt, %add3A, %lt3A : i32
    %convert_element_type3A = arith.extui %lt3A_45 : i1 to i32
    %cond3A = arith.constant 0 : i32
    %cond3A_46 = arith.cmpi ne, %convert_element_type3A, %cond3A : i32
    scf.if %cond3A_46 {
      %add3A_48 = arith.constant 2496 : i32
      %add3A_49 = arith.addi %add3A_48, %add3A : i32
      %mul3A_50 = arith.constant 128 : i32
      %mul3A_51 = arith.muli %add3A_49, %mul3A_50 : i32
      "tpu.region"() ({
        %run_scoped3A = tpu.sem_alloc : memref<!tpu.dma_semaphore, #tpu.memory_space<semaphore_mem>>
        %dma_start3A_60 = tpu.memref_slice %arg3[%mul3A_51] : memref<320000xi32, #tpu.memory_space<hbm>> -> memref<128xi32, #tpu.memory_space<hbm>>
        %dma_start3A_61 = tpu.memref_slice %arg3[%mul3A_51] : memref<320000xi32, #tpu.memory_space<hbm>> -> memref<128xi32, #tpu.memory_space<hbm>>
        tpu.enqueue_dma source(%dma_start3A_61 : memref<128xi32, #tpu.memory_space<hbm>>) target(%arg7 : memref<128xi32, #tpu.memory_space<vmem>>) target_semaphore(%run_scoped3A : memref<!tpu.dma_semaphore, #tpu.memory_space<semaphore_mem>>)
        %dma_wait3A_62 = tpu.memref_slice %arg3[%mul3A_51] : memref<320000xi32, #tpu.memory_space<hbm>> -> memref<128xi32, #tpu.memory_space<hbm>>
        %dma_wait3A_63 = tpu.memref_slice %arg3[%mul3A_51] : memref<320000xi32, #tpu.memory_space<hbm>> -> memref<128xi32, #tpu.memory_space<hbm>>
        tpu.wait_dma2 semaphore(%run_scoped3A : memref<!tpu.dma_semaphore, #tpu.memory_space<semaphore_mem>>) src(%dma_wait3A_63 : memref<128xi32, #tpu.memory_space<hbm>>) dst(%arg7 : memref<128xi32, #tpu.memory_space<vmem>>)
        tpu.yield
      }) : () -> ()
      %mul3A_52 = arith.constant 128 : i32
      %mul3A_53 = arith.muli %add3A_49, %mul3A_52 : i32
      "tpu.region"() ({
        %run_scoped3A = tpu.sem_alloc : memref<!tpu.dma_semaphore, #tpu.memory_space<semaphore_mem>>
        %dma_start3A_60 = tpu.memref_slice %arg4[%mul3A_53] : memref<320000xi32, #tpu.memory_space<hbm>> -> memref<128xi32, #tpu.memory_space<hbm>>
        %dma_start3A_61 = tpu.memref_slice %arg4[%mul3A_53] : memref<320000xi32, #tpu.memory_space<hbm>> -> memref<128xi32, #tpu.memory_space<hbm>>
        tpu.enqueue_dma source(%dma_start3A_61 : memref<128xi32, #tpu.memory_space<hbm>>) target(%arg9 : memref<128xi32, #tpu.memory_space<vmem>>) target_semaphore(%run_scoped3A : memref<!tpu.dma_semaphore, #tpu.memory_space<semaphore_mem>>)
        %dma_wait3A_62 = tpu.memref_slice %arg4[%mul3A_53] : memref<320000xi32, #tpu.memory_space<hbm>> -> memref<128xi32, #tpu.memory_space<hbm>>
        %dma_wait3A_63 = tpu.memref_slice %arg4[%mul3A_53] : memref<320000xi32, #tpu.memory_space<hbm>> -> memref<128xi32, #tpu.memory_space<hbm>>
        tpu.wait_dma2 semaphore(%run_scoped3A : memref<!tpu.dma_semaphore, #tpu.memory_space<semaphore_mem>>) src(%dma_wait3A_63 : memref<128xi32, #tpu.memory_space<hbm>>) dst(%arg9 : memref<128xi32, #tpu.memory_space<vmem>>)
        tpu.yield
      }) : () -> ()
      %dma_start3A_54 = arith.constant 0 : i32
      %dma_start3A_55 = arith.constant 0 : i32
      %dma_start3A_56 = tpu.memref_slice %arg2[%dma_start3A_54, %dma_start3A_55] : memref<10000x128xf32, #tpu.memory_space<hbm>> -> memref<10000x128xf32, #tpu.memory_space<hbm>>
      tpu.enqueue_indirect_dma source(%dma_start3A_56 : memref<10000x128xf32, #tpu.memory_space<hbm>>) target(%arg11 : memref<128x128xf32, #tpu.memory_space<vmem>>) offsets(%arg7 : memref<128xi32, #tpu.memory_space<vmem>>) semaphore(%arg14 : memref<!tpu.dma_semaphore, #tpu.memory_space<semaphore_mem>>)
      %dma_wait3A_57 = arith.constant 0 : i32
      %dma_wait3A_58 = arith.constant 0 : i32
      %dma_wait3A_59 = tpu.memref_slice %arg2[%dma_wait3A_57, %dma_wait3A_58] : memref<10000x128xf32, #tpu.memory_space<hbm>> -> memref<10000x128xf32, #tpu.memory_space<hbm>>
      tpu.wait_indirect_dma semaphore(%arg14 : memref<!tpu.dma_semaphore, #tpu.memory_space<semaphore_mem>>) src(%dma_wait3A_59 : memref<10000x128xf32, #tpu.memory_space<hbm>>) dst(%arg11 : memref<128x128xf32, #tpu.memory_space<vmem>>)
      "tpu.region"() ({
        %run_scoped3A = tpu.sem_alloc : memref<!tpu.dma_semaphore, #tpu.memory_space<semaphore_mem>>
        %dma_start3A_60 = arith.constant 0 : i32
        %dma_start3A_61 = arith.constant 0 : i32
        %dma_start3A_62 = tpu.memref_slice %arg13[%dma_start3A_60, %dma_start3A_61] : memref<10112x128xf32, #tpu.memory_space<vmem_shared>> -> memref<10112x128xf32, #tpu.memory_space<vmem_shared>>
        tpu.enqueue_indirect_dma source(%arg11 : memref<128x128xf32, #tpu.memory_space<vmem>>) target(%dma_start3A_62 : memref<10112x128xf32, #tpu.memory_space<vmem_shared>>) offsets(%arg9 : memref<128xi32, #tpu.memory_space<vmem>>) semaphore(%run_scoped3A : memref<!tpu.dma_semaphore, #tpu.memory_space<semaphore_mem>>) {add = true}
        %dma_wait3A_63 = arith.constant 0 : i32
        %dma_wait3A_64 = arith.constant 0 : i32
        %dma_wait3A_65 = tpu.memref_slice %arg13[%dma_wait3A_63, %dma_wait3A_64] : memref<10112x128xf32, #tpu.memory_space<vmem_shared>> -> memref<10112x128xf32, #tpu.memory_space<vmem_shared>>
        tpu.wait_indirect_dma semaphore(%run_scoped3A : memref<!tpu.dma_semaphore, #tpu.memory_space<semaphore_mem>>) src(%arg11 : memref<128x128xf32, #tpu.memory_space<vmem>>) dst(%dma_wait3A_65 : memref<10112x128xf32, #tpu.memory_space<vmem_shared>>)
        tpu.yield
      }) : () -> ()
    } else {
    }
    %barrier3A_47 = arith.constant 0 : index
    tpu.barrier barrier_id(%barrier3A_47)
    "tpu.region"() ({
      %run_scoped3A = tpu.sem_alloc : memref<!tpu.dma_semaphore, #tpu.memory_space<semaphore_mem>>
      %dma_start3A_48 = arith.constant 0 : i32
      %dma_start3A_49 = tpu.memref_slice %arg6[%arg0, %mul3A_2, %dma_start3A_48] : memref<2x10112x128xf32, #tpu.memory_space<hbm>> -> memref<1x632x128xf32, #tpu.memory_space<hbm>>
      %dma_start3A_50 = tpu.memref_squeeze %dma_start3A_49 : memref<1x632x128xf32, #tpu.memory_space<hbm>> -> memref<632x128xf32, #tpu.memory_space<hbm>>
      %dma_start3A_51 = arith.constant 0 : i32
      %dma_start3A_52 = tpu.memref_slice %arg13[%mul3A_2, %dma_start3A_51] : memref<10112x128xf32, #tpu.memory_space<vmem_shared>> -> memref<632x128xf32, #tpu.memory_space<vmem_shared>>
      tpu.enqueue_dma source(%dma_start3A_52 : memref<632x128xf32, #tpu.memory_space<vmem_shared>>) target(%dma_start3A_50 : memref<632x128xf32, #tpu.memory_space<hbm>>) target_semaphore(%run_scoped3A : memref<!tpu.dma_semaphore, #tpu.memory_space<semaphore_mem>>)
      %dma_wait3A_53 = arith.constant 0 : i32
      %dma_wait3A_54 = tpu.memref_slice %arg6[%arg0, %mul3A_2, %dma_wait3A_53] : memref<2x10112x128xf32, #tpu.memory_space<hbm>> -> memref<1x632x128xf32, #tpu.memory_space<hbm>>
      %dma_wait3A_55 = tpu.memref_squeeze %dma_wait3A_54 : memref<1x632x128xf32, #tpu.memory_space<hbm>> -> memref<632x128xf32, #tpu.memory_space<hbm>>
      %dma_wait3A_56 = arith.constant 0 : i32
      %dma_wait3A_57 = tpu.memref_slice %arg13[%mul3A_2, %dma_wait3A_56] : memref<10112x128xf32, #tpu.memory_space<vmem_shared>> -> memref<632x128xf32, #tpu.memory_space<vmem_shared>>
      tpu.wait_dma2 semaphore(%run_scoped3A : memref<!tpu.dma_semaphore, #tpu.memory_space<semaphore_mem>>) src(%dma_wait3A_57 : memref<632x128xf32, #tpu.memory_space<vmem_shared>>) dst(%dma_wait3A_55 : memref<632x128xf32, #tpu.memory_space<hbm>>)
      tpu.yield
    }) : () -> ()
    return
  }
}

module attributes {stable_mosaic.version = 14 : i64} {
  func.func @_update_cls_body(%arg0: i32, %arg1: memref<1024x128xf32, #tpu.memory_space<vmem>>, %arg2: memref<2x1024x128xf32, #tpu.memory_space<vmem>>, %arg3: memref<32x1024xf32, #tpu.memory_space<vmem>>, %arg4: memref<128x128xf32, #tpu.memory_space<vmem>>, %arg5: memref<128xf32, #tpu.memory_space<vmem>>, %arg6: memref<128x128xf32, #tpu.memory_space<vmem>>, %arg7: memref<128xf32, #tpu.memory_space<vmem>>, %arg8: memref<128xf32, #tpu.memory_space<vmem>>, %arg9: memref<128x128xf32, #tpu.memory_space<vmem>>, %arg10: memref<128xf32, #tpu.memory_space<vmem>>, %arg11: memref<128x40xf32, #tpu.memory_space<vmem>>, %arg12: memref<40xf32, #tpu.memory_space<vmem>>, %arg13: memref<1024x128xf32, #tpu.memory_space<vmem>>, %arg14: memref<1024x40xf32, #tpu.memory_space<vmem>>) attributes {dimension_semantics = [#tpu.dimension_semantics<arbitrary>], iteration_bounds = array<i64: 10>, scalar_prefetch = 0 : i64, scratch_operands = 0 : i64, tpu.core_type = #tpu.core_type<tc>, window_params = [{transform_indices = @transform_0, window_bounds = array<i64: 1024, 128>}, {transform_indices = @transform_1, window_bounds = array<i64: 2, 1024, 128>}, {transform_indices = @transform_2, window_bounds = array<i64: 32, 1024>}, {pipeline_mode = #tpu.pipeline_mode<synchronous>, transform_indices = @transform_3, window_bounds = array<i64: 128, 128>}, {pipeline_mode = #tpu.pipeline_mode<synchronous>, transform_indices = @transform_4, window_bounds = array<i64: 128>}, {pipeline_mode = #tpu.pipeline_mode<synchronous>, transform_indices = @transform_5, window_bounds = array<i64: 128, 128>}, {pipeline_mode = #tpu.pipeline_mode<synchronous>, transform_indices = @transform_6, window_bounds = array<i64: 128>}, {pipeline_mode = #tpu.pipeline_mode<synchronous>, transform_indices = @transform_7, window_bounds = array<i64: 128>}, {pipeline_mode = #tpu.pipeline_mode<synchronous>, transform_indices = @transform_8, window_bounds = array<i64: 128, 128>}, {pipeline_mode = #tpu.pipeline_mode<synchronous>, transform_indices = @transform_9, window_bounds = array<i64: 128>}, {pipeline_mode = #tpu.pipeline_mode<synchronous>, transform_indices = @transform_10, window_bounds = array<i64: 128, 40>}, {pipeline_mode = #tpu.pipeline_mode<synchronous>, transform_indices = @transform_11, window_bounds = array<i64: 40>}, {transform_indices = @transform_12, window_bounds = array<i64: 1024, 128>}, {transform_indices = @transform_13, window_bounds = array<i64: 1024, 40>}]} {
    %get3A = arith.constant 0 : index
    %get3A_0 = arith.constant 0 : index
    %get3A_1 = vector.load %arg1[%get3A, %get3A_0] : memref<1024x128xf32, #tpu.memory_space<vmem>>, vector<1024x128xf32>
    %get3A_2 = arith.constant 0 : index
    %get3A_3 = arith.constant 0 : index
    %get3A_4 = arith.constant 0 : index
    %get3A_5 = vector.load %arg2[%get3A_2, %get3A_3, %get3A_4] : memref<2x1024x128xf32, #tpu.memory_space<vmem>>, vector<1x1024x128xf32>
    %get3A_6 = vector.shape_cast %get3A_5 : vector<1x1024x128xf32> to vector<1024x128xf32>
    %get3A_7 = arith.constant 1 : index
    %get3A_8 = arith.constant 0 : index
    %get3A_9 = arith.constant 0 : index
    %get3A_10 = vector.load %arg2[%get3A_7, %get3A_8, %get3A_9] : memref<2x1024x128xf32, #tpu.memory_space<vmem>>, vector<1x1024x128xf32>
    %get3A_11 = vector.shape_cast %get3A_10 : vector<1x1024x128xf32> to vector<1024x128xf32>
    %add3A = arith.addf %get3A_6, %get3A_11 : vector<1024x128xf32>
    %get3A_12 = arith.constant 0 : index
    %get3A_13 = arith.constant 0 : index
    %get3A_14 = vector.load %arg3[%get3A_12, %get3A_13] : memref<32x1024xf32, #tpu.memory_space<vmem>>, vector<32x1024xf32>
    %reduce_sum3A = arith.constant dense<0.000000e+00> : vector<1024xf32>
    %reduce_sum3A_15 = vector.multi_reduction <add>, %get3A_14, %reduce_sum3A [0] : vector<32x1024xf32> to vector<1024xf32>
    %broadcast_in_dim3A = vector.shape_cast %reduce_sum3A_15 : vector<1024xf32> to vector<1024x1xf32>
    %max3A = arith.constant 1.000000e+00 : f32
    %max3A_16 = vector.broadcast %max3A : f32 to vector<1024x1xf32>
    %max3A_17 = arith.maximumf %broadcast_in_dim3A, %max3A_16 : vector<1024x1xf32>
    %div3A = vector.broadcast %max3A_17 : vector<1024x1xf32> to vector<1024x128xf32>
    %div3A_18 = arith.divf %add3A, %div3A : vector<1024x128xf32>
    %get3A_19 = arith.constant 0 : index
    %get3A_20 = arith.constant 0 : index
    %get3A_21 = vector.load %arg4[%get3A_19, %get3A_20] : memref<128x128xf32, #tpu.memory_space<vmem>>, vector<128x128xf32>
    %dot_general3A = arith.constant dense<0.000000e+00> : vector<1024x128xf32>
    %dot_general3A_22 = tpu.matmul %div3A_18, %get3A_21, %dot_general3A {dimension_numbers = #tpu.dot_dimension_numbers<[1], [0], [0], [1], [0, 0, 1, 1], [], []>, transpose_lhs_hint = false} : vector<1024x128xf32>, vector<128x128xf32>, vector<1024x128xf32> -> vector<1024x128xf32>
    %get3A_23 = arith.constant 0 : index
    %get3A_24 = vector.load %arg5[%get3A_23] : memref<128xf32, #tpu.memory_space<vmem>>, vector<128xf32>
    %broadcast_in_dim3A_25 = vector.shape_cast %get3A_24 : vector<128xf32> to vector<1x128xf32>
    %add3A_26 = vector.broadcast %broadcast_in_dim3A_25 : vector<1x128xf32> to vector<1024x128xf32>
    %add3A_27 = arith.addf %dot_general3A_22, %add3A_26 : vector<1024x128xf32>
    %get3A_28 = arith.constant 0 : index
    %get3A_29 = arith.constant 0 : index
    %get3A_30 = vector.load %arg6[%get3A_28, %get3A_29] : memref<128x128xf32, #tpu.memory_space<vmem>>, vector<128x128xf32>
    %dot_general3A_31 = arith.constant dense<0.000000e+00> : vector<1024x128xf32>
    %dot_general3A_32 = tpu.matmul %get3A_1, %get3A_30, %dot_general3A_31 {dimension_numbers = #tpu.dot_dimension_numbers<[1], [0], [0], [1], [0, 0, 1, 1], [], []>, transpose_lhs_hint = false} : vector<1024x128xf32>, vector<128x128xf32>, vector<1024x128xf32> -> vector<1024x128xf32>
    %add3A_33 = arith.addf %add3A_27, %dot_general3A_32 : vector<1024x128xf32>
    %max3A_34 = arith.constant 0.000000e+00 : f32
    %max3A_35 = vector.broadcast %max3A_34 : f32 to vector<1024x128xf32>
    %max3A_36 = arith.maximumf %add3A_33, %max3A_35 : vector<1024x128xf32>
    %add3A_37 = arith.addf %get3A_1, %max3A_36 : vector<1024x128xf32>
    %get3A_38 = arith.constant 0 : index
    %get3A_39 = vector.load %arg7[%get3A_38] : memref<128xf32, #tpu.memory_space<vmem>>, vector<128xf32>
    %get3A_40 = arith.constant 0 : index
    %get3A_41 = vector.load %arg8[%get3A_40] : memref<128xf32, #tpu.memory_space<vmem>>, vector<128xf32>
    %reduce_sum3A_42 = arith.constant dense<0.000000e+00> : vector<1024xf32>
    %reduce_sum3A_43 = vector.multi_reduction <add>, %add3A_37, %reduce_sum3A_42 [1] : vector<1024x128xf32> to vector<1024xf32>
    %broadcast_in_dim3A_44 = vector.shape_cast %reduce_sum3A_43 : vector<1024xf32> to vector<1024x1xf32>
    %div3A_45 = arith.constant 1.280000e+02 : f32
    %div3A_46 = vector.broadcast %div3A_45 : f32 to vector<1024x1xf32>
    %div3A_47 = arith.divf %broadcast_in_dim3A_44, %div3A_46 : vector<1024x1xf32>
    %sub3A = vector.broadcast %div3A_47 : vector<1024x1xf32> to vector<1024x128xf32>
    %sub3A_48 = arith.subf %add3A_37, %sub3A : vector<1024x128xf32>
    %integer_pow3A = arith.mulf %sub3A_48, %sub3A_48 : vector<1024x128xf32>
    %reduce_sum3A_49 = arith.constant dense<0.000000e+00> : vector<1024xf32>
    %reduce_sum3A_50 = vector.multi_reduction <add>, %integer_pow3A, %reduce_sum3A_49 [1] : vector<1024x128xf32> to vector<1024xf32>
    %broadcast_in_dim3A_51 = vector.shape_cast %reduce_sum3A_50 : vector<1024xf32> to vector<1024x1xf32>
    %div3A_52 = arith.constant 1.280000e+02 : f32
    %div3A_53 = vector.broadcast %div3A_52 : f32 to vector<1024x1xf32>
    %div3A_54 = arith.divf %broadcast_in_dim3A_51, %div3A_53 : vector<1024x1xf32>
    %sub3A_55 = vector.broadcast %div3A_47 : vector<1024x1xf32> to vector<1024x128xf32>
    %sub3A_56 = arith.subf %add3A_37, %sub3A_55 : vector<1024x128xf32>
    %add3A_57 = arith.constant 9.99999974E-6 : f32
    %add3A_58 = vector.broadcast %add3A_57 : f32 to vector<1024x1xf32>
    %add3A_59 = arith.addf %div3A_54, %add3A_58 : vector<1024x1xf32>
    %rsqrt3A = math.rsqrt %add3A_59 : vector<1024x1xf32>
    %mul3A = vector.broadcast %rsqrt3A : vector<1024x1xf32> to vector<1024x128xf32>
    %mul3A_60 = arith.mulf %sub3A_56, %mul3A : vector<1024x128xf32>
    %broadcast_in_dim3A_61 = vector.shape_cast %get3A_39 : vector<128xf32> to vector<1x128xf32>
    %mul3A_62 = vector.broadcast %broadcast_in_dim3A_61 : vector<1x128xf32> to vector<1024x128xf32>
    %mul3A_63 = arith.mulf %mul3A_60, %mul3A_62 : vector<1024x128xf32>
    %broadcast_in_dim3A_64 = vector.shape_cast %get3A_41 : vector<128xf32> to vector<1x128xf32>
    %add3A_65 = vector.broadcast %broadcast_in_dim3A_64 : vector<1x128xf32> to vector<1024x128xf32>
    %add3A_66 = arith.addf %mul3A_63, %add3A_65 : vector<1024x128xf32>
    %swap3A = arith.constant 0 : index
    %swap3A_67 = arith.constant 0 : index
    %swap3A_68 = vector.load %arg13[%swap3A, %swap3A_67] : memref<1024x128xf32, #tpu.memory_space<vmem>>, vector<1024x128xf32>
    tpu.vector_store %arg13[%swap3A, %swap3A_67], %add3A_66 {strides = array<i32>} : memref<1024x128xf32, #tpu.memory_space<vmem>>, vector<1024x128xf32>,
    %get3A_69 = arith.constant 0 : index
    %get3A_70 = arith.constant 0 : index
    %get3A_71 = vector.load %arg9[%get3A_69, %get3A_70] : memref<128x128xf32, #tpu.memory_space<vmem>>, vector<128x128xf32>
    %dot_general3A_72 = arith.constant dense<0.000000e+00> : vector<1024x128xf32>
    %dot_general3A_73 = tpu.matmul %add3A_66, %get3A_71, %dot_general3A_72 {dimension_numbers = #tpu.dot_dimension_numbers<[1], [0], [0], [1], [0, 0, 1, 1], [], []>, transpose_lhs_hint = false} : vector<1024x128xf32>, vector<128x128xf32>, vector<1024x128xf32> -> vector<1024x128xf32>
    %get3A_74 = arith.constant 0 : index
    %get3A_75 = vector.load %arg10[%get3A_74] : memref<128xf32, #tpu.memory_space<vmem>>, vector<128xf32>
    %broadcast_in_dim3A_76 = vector.shape_cast %get3A_75 : vector<128xf32> to vector<1x128xf32>
    %add3A_77 = vector.broadcast %broadcast_in_dim3A_76 : vector<1x128xf32> to vector<1024x128xf32>
    %add3A_78 = arith.addf %dot_general3A_73, %add3A_77 : vector<1024x128xf32>
    %max3A_79 = arith.constant 0.000000e+00 : f32
    %max3A_80 = vector.broadcast %max3A_79 : f32 to vector<1024x128xf32>
    %max3A_81 = arith.maximumf %add3A_78, %max3A_80 : vector<1024x128xf32>
    %get3A_82 = arith.constant 0 : index
    %get3A_83 = arith.constant 0 : index
    %get3A_84 = vector.load %arg11[%get3A_82, %get3A_83] : memref<128x40xf32, #tpu.memory_space<vmem>>, vector<128x40xf32>
    %dot_general3A_85 = arith.constant dense<0.000000e+00> : vector<1024x40xf32>
    %dot_general3A_86 = tpu.matmul %max3A_81, %get3A_84, %dot_general3A_85 {dimension_numbers = #tpu.dot_dimension_numbers<[1], [0], [0], [1], [0, 0, 1, 1], [], []>, transpose_lhs_hint = false} : vector<1024x128xf32>, vector<128x40xf32>, vector<1024x40xf32> -> vector<1024x40xf32>
    %get3A_87 = arith.constant 0 : index
    %get3A_88 = vector.load %arg12[%get3A_87] : memref<40xf32, #tpu.memory_space<vmem>>, vector<40xf32>
    %broadcast_in_dim3A_89 = vector.shape_cast %get3A_88 : vector<40xf32> to vector<1x40xf32>
    %add3A_90 = vector.broadcast %broadcast_in_dim3A_89 : vector<1x40xf32> to vector<1024x40xf32>
    %add3A_91 = arith.addf %dot_general3A_86, %add3A_90 : vector<1024x40xf32>
    %swap3A_92 = arith.constant 0 : index
    %swap3A_93 = arith.constant 0 : index
    %swap3A_94 = vector.load %arg14[%swap3A_92, %swap3A_93] : memref<1024x40xf32, #tpu.memory_space<vmem>>, vector<1024x40xf32>
    tpu.vector_store %arg14[%swap3A_92, %swap3A_93], %add3A_91 {strides = array<i32>} : memref<1024x40xf32, #tpu.memory_space<vmem>>, vector<1024x40xf32>,
    return
  }
  func.func @transform_0(%arg0: i32) -> (i32, i32) {
    %c0_i32 = arith.constant 0 : i32
    %c0_i32_0 = arith.constant 0 : i32
    return %arg0, %c0_i32 : i32, i32
  }
  func.func @transform_1(%arg0: i32) -> (i32, i32, i32) {
    %c0_i32 = arith.constant 0 : i32
    %c0_i32_0 = arith.constant 0 : i32
    %c0_i32_1 = arith.constant 0 : i32
    return %c0_i32, %arg0, %c0_i32_0 : i32, i32, i32
  }
  func.func @transform_2(%arg0: i32) -> (i32, i32) {
    %c0_i32 = arith.constant 0 : i32
    %c0_i32_0 = arith.constant 0 : i32
    return %c0_i32, %arg0 : i32, i32
  }
  func.func @transform_3(%arg0: i32) -> (i32, i32) {
    %c0_i32 = arith.constant 0 : i32
    %c0_i32_0 = arith.constant 0 : i32
    %c0_i32_1 = arith.constant 0 : i32
    return %c0_i32, %c0_i32_0 : i32, i32
  }
  func.func @transform_4(%arg0: i32) -> i32 {
    %c0_i32 = arith.constant 0 : i32
    %c0_i32_0 = arith.constant 0 : i32
    return %c0_i32 : i32
  }
  func.func @transform_5(%arg0: i32) -> (i32, i32) {
    %c0_i32 = arith.constant 0 : i32
    %c0_i32_0 = arith.constant 0 : i32
    %c0_i32_1 = arith.constant 0 : i32
    return %c0_i32, %c0_i32_0 : i32, i32
  }
  func.func @transform_6(%arg0: i32) -> i32 {
    %c0_i32 = arith.constant 0 : i32
    %c0_i32_0 = arith.constant 0 : i32
    return %c0_i32 : i32
  }
  func.func @transform_7(%arg0: i32) -> i32 {
    %c0_i32 = arith.constant 0 : i32
    %c0_i32_0 = arith.constant 0 : i32
    return %c0_i32 : i32
  }
  func.func @transform_8(%arg0: i32) -> (i32, i32) {
    %c0_i32 = arith.constant 0 : i32
    %c0_i32_0 = arith.constant 0 : i32
    %c0_i32_1 = arith.constant 0 : i32
    return %c0_i32, %c0_i32_0 : i32, i32
  }
  func.func @transform_9(%arg0: i32) -> i32 {
    %c0_i32 = arith.constant 0 : i32
    %c0_i32_0 = arith.constant 0 : i32
    return %c0_i32 : i32
  }
  func.func @transform_10(%arg0: i32) -> (i32, i32) {
    %c0_i32 = arith.constant 0 : i32
    %c0_i32_0 = arith.constant 0 : i32
    %c0_i32_1 = arith.constant 0 : i32
    return %c0_i32, %c0_i32_0 : i32, i32
  }
  func.func @transform_11(%arg0: i32) -> i32 {
    %c0_i32 = arith.constant 0 : i32
    %c0_i32_0 = arith.constant 0 : i32
    return %c0_i32 : i32
  }
  func.func @transform_12(%arg0: i32) -> (i32, i32) {
    %c0_i32 = arith.constant 0 : i32
    %c0_i32_0 = arith.constant 0 : i32
    return %arg0, %c0_i32 : i32, i32
  }
  func.func @transform_13(%arg0: i32) -> (i32, i32) {
    %c0_i32 = arith.constant 0 : i32
    %c0_i32_0 = arith.constant 0 : i32
    return %arg0, %c0_i32 : i32, i32
  }
}

module attributes {stable_mosaic.version = 14 : i64} {
  func.func @_proj_body(%arg0: i32, %arg1: memref<1024x128xf32, #tpu.memory_space<vmem>>, %arg2: memref<128x128xf32, #tpu.memory_space<vmem>>, %arg3: memref<128xf32, #tpu.memory_space<vmem>>, %arg4: memref<128x128xf32, #tpu.memory_space<vmem>>, %arg5: memref<128xf32, #tpu.memory_space<vmem>>, %arg6: memref<128xf32, #tpu.memory_space<vmem>>, %arg7: memref<128xf32, #tpu.memory_space<vmem>>, %arg8: memref<1024x128xf32, #tpu.memory_space<vmem>>) attributes {dimension_semantics = [#tpu.dimension_semantics<arbitrary>], iteration_bounds = array<i64: 10>, scalar_prefetch = 0 : i64, scratch_operands = 0 : i64, tpu.core_type = #tpu.core_type<tc>, window_params = [{transform_indices = @transform_0, window_bounds = array<i64: 1024, 128>}, {pipeline_mode = #tpu.pipeline_mode<synchronous>, transform_indices = @transform_1, window_bounds = array<i64: 128, 128>}, {pipeline_mode = #tpu.pipeline_mode<synchronous>, transform_indices = @transform_2, window_bounds = array<i64: 128>}, {pipeline_mode = #tpu.pipeline_mode<synchronous>, transform_indices = @transform_3, window_bounds = array<i64: 128, 128>}, {pipeline_mode = #tpu.pipeline_mode<synchronous>, transform_indices = @transform_4, window_bounds = array<i64: 128>}, {pipeline_mode = #tpu.pipeline_mode<synchronous>, transform_indices = @transform_5, window_bounds = array<i64: 128>}, {pipeline_mode = #tpu.pipeline_mode<synchronous>, transform_indices = @transform_6, window_bounds = array<i64: 128>}, {transform_indices = @transform_7, window_bounds = array<i64: 1024, 128>}]} {
    %get3A = arith.constant 0 : index
    %get3A_0 = arith.constant 0 : index
    %get3A_1 = vector.load %arg1[%get3A, %get3A_0] : memref<1024x128xf32, #tpu.memory_space<vmem>>, vector<1024x128xf32>
    %get3A_2 = arith.constant 0 : index
    %get3A_3 = arith.constant 0 : index
    %get3A_4 = vector.load %arg2[%get3A_2, %get3A_3] : memref<128x128xf32, #tpu.memory_space<vmem>>, vector<128x128xf32>
    %dot_general3A = arith.constant dense<0.000000e+00> : vector<1024x128xf32>
    %dot_general3A_5 = tpu.matmul %get3A_1, %get3A_4, %dot_general3A {dimension_numbers = #tpu.dot_dimension_numbers<[1], [0], [0], [1], [0, 0, 1, 1], [], []>, transpose_lhs_hint = false} : vector<1024x128xf32>, vector<128x128xf32>, vector<1024x128xf32> -> vector<1024x128xf32>
    %get3A_6 = arith.constant 0 : index
    %get3A_7 = vector.load %arg3[%get3A_6] : memref<128xf32, #tpu.memory_space<vmem>>, vector<128xf32>
    %broadcast_in_dim3A = vector.shape_cast %get3A_7 : vector<128xf32> to vector<1x128xf32>
    %add3A = vector.broadcast %broadcast_in_dim3A : vector<1x128xf32> to vector<1024x128xf32>
    %add3A_8 = arith.addf %dot_general3A_5, %add3A : vector<1024x128xf32>
    %max3A = arith.constant 0.000000e+00 : f32
    %max3A_9 = vector.broadcast %max3A : f32 to vector<1024x128xf32>
    %max3A_10 = arith.maximumf %add3A_8, %max3A_9 : vector<1024x128xf32>
    %get3A_11 = arith.constant 0 : index
    %get3A_12 = arith.constant 0 : index
    %get3A_13 = vector.load %arg4[%get3A_11, %get3A_12] : memref<128x128xf32, #tpu.memory_space<vmem>>, vector<128x128xf32>
    %dot_general3A_14 = arith.constant dense<0.000000e+00> : vector<1024x128xf32>
    %dot_general3A_15 = tpu.matmul %max3A_10, %get3A_13, %dot_general3A_14 {dimension_numbers = #tpu.dot_dimension_numbers<[1], [0], [0], [1], [0, 0, 1, 1], [], []>, transpose_lhs_hint = false} : vector<1024x128xf32>, vector<128x128xf32>, vector<1024x128xf32> -> vector<1024x128xf32>
    %get3A_16 = arith.constant 0 : index
    %get3A_17 = vector.load %arg5[%get3A_16] : memref<128xf32, #tpu.memory_space<vmem>>, vector<128xf32>
    %broadcast_in_dim3A_18 = vector.shape_cast %get3A_17 : vector<128xf32> to vector<1x128xf32>
    %add3A_19 = vector.broadcast %broadcast_in_dim3A_18 : vector<1x128xf32> to vector<1024x128xf32>
    %add3A_20 = arith.addf %dot_general3A_15, %add3A_19 : vector<1024x128xf32>
    %get3A_21 = arith.constant 0 : index
    %get3A_22 = vector.load %arg6[%get3A_21] : memref<128xf32, #tpu.memory_space<vmem>>, vector<128xf32>
    %get3A_23 = arith.constant 0 : index
    %get3A_24 = vector.load %arg7[%get3A_23] : memref<128xf32, #tpu.memory_space<vmem>>, vector<128xf32>
    %reduce_sum3A = arith.constant dense<0.000000e+00> : vector<1024xf32>
    %reduce_sum3A_25 = vector.multi_reduction <add>, %add3A_20, %reduce_sum3A [1] : vector<1024x128xf32> to vector<1024xf32>
    %broadcast_in_dim3A_26 = vector.shape_cast %reduce_sum3A_25 : vector<1024xf32> to vector<1024x1xf32>
    %div3A = arith.constant 1.280000e+02 : f32
    %div3A_27 = vector.broadcast %div3A : f32 to vector<1024x1xf32>
    %div3A_28 = arith.divf %broadcast_in_dim3A_26, %div3A_27 : vector<1024x1xf32>
    %sub3A = vector.broadcast %div3A_28 : vector<1024x1xf32> to vector<1024x128xf32>
    %sub3A_29 = arith.subf %add3A_20, %sub3A : vector<1024x128xf32>
    %integer_pow3A = arith.mulf %sub3A_29, %sub3A_29 : vector<1024x128xf32>
    %reduce_sum3A_30 = arith.constant dense<0.000000e+00> : vector<1024xf32>
    %reduce_sum3A_31 = vector.multi_reduction <add>, %integer_pow3A, %reduce_sum3A_30 [1] : vector<1024x128xf32> to vector<1024xf32>
    %broadcast_in_dim3A_32 = vector.shape_cast %reduce_sum3A_31 : vector<1024xf32> to vector<1024x1xf32>
    %div3A_33 = arith.constant 1.280000e+02 : f32
    %div3A_34 = vector.broadcast %div3A_33 : f32 to vector<1024x1xf32>
    %div3A_35 = arith.divf %broadcast_in_dim3A_32, %div3A_34 : vector<1024x1xf32>
    %sub3A_36 = vector.broadcast %div3A_28 : vector<1024x1xf32> to vector<1024x128xf32>
    %sub3A_37 = arith.subf %add3A_20, %sub3A_36 : vector<1024x128xf32>
    %add3A_38 = arith.constant 9.99999974E-6 : f32
    %add3A_39 = vector.broadcast %add3A_38 : f32 to vector<1024x1xf32>
    %add3A_40 = arith.addf %div3A_35, %add3A_39 : vector<1024x1xf32>
    %rsqrt3A = math.rsqrt %add3A_40 : vector<1024x1xf32>
    %mul3A = vector.broadcast %rsqrt3A : vector<1024x1xf32> to vector<1024x128xf32>
    %mul3A_41 = arith.mulf %sub3A_37, %mul3A : vector<1024x128xf32>
    %broadcast_in_dim3A_42 = vector.shape_cast %get3A_22 : vector<128xf32> to vector<1x128xf32>
    %mul3A_43 = vector.broadcast %broadcast_in_dim3A_42 : vector<1x128xf32> to vector<1024x128xf32>
    %mul3A_44 = arith.mulf %mul3A_41, %mul3A_43 : vector<1024x128xf32>
    %broadcast_in_dim3A_45 = vector.shape_cast %get3A_24 : vector<128xf32> to vector<1x128xf32>
    %add3A_46 = vector.broadcast %broadcast_in_dim3A_45 : vector<1x128xf32> to vector<1024x128xf32>
    %add3A_47 = arith.addf %mul3A_44, %add3A_46 : vector<1024x128xf32>
    %swap3A = arith.constant 0 : index
    %swap3A_48 = arith.constant 0 : index
    %swap3A_49 = vector.load %arg8[%swap3A, %swap3A_48] : memref<1024x128xf32, #tpu.memory_space<vmem>>, vector<1024x128xf32>
    tpu.vector_store %arg8[%swap3A, %swap3A_48], %add3A_47 {strides = array<i32>} : memref<1024x128xf32, #tpu.memory_space<vmem>>, vector<1024x128xf32>,
    return
  }
  func.func @transform_0(%arg0: i32) -> (i32, i32) {
    %c0_i32 = arith.constant 0 : i32
    %c0_i32_0 = arith.constant 0 : i32
    return %arg0, %c0_i32 : i32, i32
  }
  func.func @transform_1(%arg0: i32) -> (i32, i32) {
    %c0_i32 = arith.constant 0 : i32
    %c0_i32_0 = arith.constant 0 : i32
    %c0_i32_1 = arith.constant 0 : i32
    return %c0_i32, %c0_i32_0 : i32, i32
  }
  func.func @transform_2(%arg0: i32) -> i32 {
    %c0_i32 = arith.constant 0 : i32
    %c0_i32_0 = arith.constant 0 : i32
    return %c0_i32 : i32
  }
  func.func @transform_3(%arg0: i32) -> (i32, i32) {
    %c0_i32 = arith.constant 0 : i32
    %c0_i32_0 = arith.constant 0 : i32
    %c0_i32_1 = arith.constant 0 : i32
    return %c0_i32, %c0_i32_0 : i32, i32
  }
  func.func @transform_4(%arg0: i32) -> i32 {
    %c0_i32 = arith.constant 0 : i32
    %c0_i32_0 = arith.constant 0 : i32
    return %c0_i32 : i32
  }
  func.func @transform_5(%arg0: i32) -> i32 {
    %c0_i32 = arith.constant 0 : i32
    %c0_i32_0 = arith.constant 0 : i32
    return %c0_i32 : i32
  }
  func.func @transform_6(%arg0: i32) -> i32 {
    %c0_i32 = arith.constant 0 : i32
    %c0_i32_0 = arith.constant 0 : i32
    return %c0_i32 : i32
  }
  func.func @transform_7(%arg0: i32) -> (i32, i32) {
    %c0_i32 = arith.constant 0 : i32
    %c0_i32_0 = arith.constant 0 : i32
    return %arg0, %c0_i32 : i32, i32
  }
}

module attributes {stable_mosaic.version = 14 : i64} {
  func.func @_update_body(%arg0: i32, %arg1: memref<1024x128xf32, #tpu.memory_space<vmem>>, %arg2: memref<2x1024x128xf32, #tpu.memory_space<vmem>>, %arg3: memref<32x1024xf32, #tpu.memory_space<vmem>>, %arg4: memref<128x128xf32, #tpu.memory_space<vmem>>, %arg5: memref<128xf32, #tpu.memory_space<vmem>>, %arg6: memref<128x128xf32, #tpu.memory_space<vmem>>, %arg7: memref<128xf32, #tpu.memory_space<vmem>>, %arg8: memref<128xf32, #tpu.memory_space<vmem>>, %arg9: memref<1024x128xf32, #tpu.memory_space<vmem>>) attributes {dimension_semantics = [#tpu.dimension_semantics<arbitrary>], iteration_bounds = array<i64: 10>, scalar_prefetch = 0 : i64, scratch_operands = 0 : i64, tpu.core_type = #tpu.core_type<tc>, window_params = [{transform_indices = @transform_0, window_bounds = array<i64: 1024, 128>}, {transform_indices = @transform_1, window_bounds = array<i64: 2, 1024, 128>}, {transform_indices = @transform_2, window_bounds = array<i64: 32, 1024>}, {pipeline_mode = #tpu.pipeline_mode<synchronous>, transform_indices = @transform_3, window_bounds = array<i64: 128, 128>}, {pipeline_mode = #tpu.pipeline_mode<synchronous>, transform_indices = @transform_4, window_bounds = array<i64: 128>}, {pipeline_mode = #tpu.pipeline_mode<synchronous>, transform_indices = @transform_5, window_bounds = array<i64: 128, 128>}, {pipeline_mode = #tpu.pipeline_mode<synchronous>, transform_indices = @transform_6, window_bounds = array<i64: 128>}, {pipeline_mode = #tpu.pipeline_mode<synchronous>, transform_indices = @transform_7, window_bounds = array<i64: 128>}, {transform_indices = @transform_8, window_bounds = array<i64: 1024, 128>}]} {
    %get3A = arith.constant 0 : index
    %get3A_0 = arith.constant 0 : index
    %get3A_1 = vector.load %arg1[%get3A, %get3A_0] : memref<1024x128xf32, #tpu.memory_space<vmem>>, vector<1024x128xf32>
    %get3A_2 = arith.constant 0 : index
    %get3A_3 = arith.constant 0 : index
    %get3A_4 = arith.constant 0 : index
    %get3A_5 = vector.load %arg2[%get3A_2, %get3A_3, %get3A_4] : memref<2x1024x128xf32, #tpu.memory_space<vmem>>, vector<1x1024x128xf32>
    %get3A_6 = vector.shape_cast %get3A_5 : vector<1x1024x128xf32> to vector<1024x128xf32>
    %get3A_7 = arith.constant 1 : index
    %get3A_8 = arith.constant 0 : index
    %get3A_9 = arith.constant 0 : index
    %get3A_10 = vector.load %arg2[%get3A_7, %get3A_8, %get3A_9] : memref<2x1024x128xf32, #tpu.memory_space<vmem>>, vector<1x1024x128xf32>
    %get3A_11 = vector.shape_cast %get3A_10 : vector<1x1024x128xf32> to vector<1024x128xf32>
    %add3A = arith.addf %get3A_6, %get3A_11 : vector<1024x128xf32>
    %get3A_12 = arith.constant 0 : index
    %get3A_13 = arith.constant 0 : index
    %get3A_14 = vector.load %arg3[%get3A_12, %get3A_13] : memref<32x1024xf32, #tpu.memory_space<vmem>>, vector<32x1024xf32>
    %reduce_sum3A = arith.constant dense<0.000000e+00> : vector<1024xf32>
    %reduce_sum3A_15 = vector.multi_reduction <add>, %get3A_14, %reduce_sum3A [0] : vector<32x1024xf32> to vector<1024xf32>
    %broadcast_in_dim3A = vector.shape_cast %reduce_sum3A_15 : vector<1024xf32> to vector<1024x1xf32>
    %max3A = arith.constant 1.000000e+00 : f32
    %max3A_16 = vector.broadcast %max3A : f32 to vector<1024x1xf32>
    %max3A_17 = arith.maximumf %broadcast_in_dim3A, %max3A_16 : vector<1024x1xf32>
    %div3A = vector.broadcast %max3A_17 : vector<1024x1xf32> to vector<1024x128xf32>
    %div3A_18 = arith.divf %add3A, %div3A : vector<1024x128xf32>
    %get3A_19 = arith.constant 0 : index
    %get3A_20 = arith.constant 0 : index
    %get3A_21 = vector.load %arg4[%get3A_19, %get3A_20] : memref<128x128xf32, #tpu.memory_space<vmem>>, vector<128x128xf32>
    %dot_general3A = arith.constant dense<0.000000e+00> : vector<1024x128xf32>
    %dot_general3A_22 = tpu.matmul %div3A_18, %get3A_21, %dot_general3A {dimension_numbers = #tpu.dot_dimension_numbers<[1], [0], [0], [1], [0, 0, 1, 1], [], []>, transpose_lhs_hint = false} : vector<1024x128xf32>, vector<128x128xf32>, vector<1024x128xf32> -> vector<1024x128xf32>
    %get3A_23 = arith.constant 0 : index
    %get3A_24 = vector.load %arg5[%get3A_23] : memref<128xf32, #tpu.memory_space<vmem>>, vector<128xf32>
    %broadcast_in_dim3A_25 = vector.shape_cast %get3A_24 : vector<128xf32> to vector<1x128xf32>
    %add3A_26 = vector.broadcast %broadcast_in_dim3A_25 : vector<1x128xf32> to vector<1024x128xf32>
    %add3A_27 = arith.addf %dot_general3A_22, %add3A_26 : vector<1024x128xf32>
    %get3A_28 = arith.constant 0 : index
    %get3A_29 = arith.constant 0 : index
    %get3A_30 = vector.load %arg6[%get3A_28, %get3A_29] : memref<128x128xf32, #tpu.memory_space<vmem>>, vector<128x128xf32>
    %dot_general3A_31 = arith.constant dense<0.000000e+00> : vector<1024x128xf32>
    %dot_general3A_32 = tpu.matmul %get3A_1, %get3A_30, %dot_general3A_31 {dimension_numbers = #tpu.dot_dimension_numbers<[1], [0], [0], [1], [0, 0, 1, 1], [], []>, transpose_lhs_hint = false} : vector<1024x128xf32>, vector<128x128xf32>, vector<1024x128xf32> -> vector<1024x128xf32>
    %add3A_33 = arith.addf %add3A_27, %dot_general3A_32 : vector<1024x128xf32>
    %max3A_34 = arith.constant 0.000000e+00 : f32
    %max3A_35 = vector.broadcast %max3A_34 : f32 to vector<1024x128xf32>
    %max3A_36 = arith.maximumf %add3A_33, %max3A_35 : vector<1024x128xf32>
    %add3A_37 = arith.addf %get3A_1, %max3A_36 : vector<1024x128xf32>
    %get3A_38 = arith.constant 0 : index
    %get3A_39 = vector.load %arg7[%get3A_38] : memref<128xf32, #tpu.memory_space<vmem>>, vector<128xf32>
    %get3A_40 = arith.constant 0 : index
    %get3A_41 = vector.load %arg8[%get3A_40] : memref<128xf32, #tpu.memory_space<vmem>>, vector<128xf32>
    %reduce_sum3A_42 = arith.constant dense<0.000000e+00> : vector<1024xf32>
    %reduce_sum3A_43 = vector.multi_reduction <add>, %add3A_37, %reduce_sum3A_42 [1] : vector<1024x128xf32> to vector<1024xf32>
    %broadcast_in_dim3A_44 = vector.shape_cast %reduce_sum3A_43 : vector<1024xf32> to vector<1024x1xf32>
    %div3A_45 = arith.constant 1.280000e+02 : f32
    %div3A_46 = vector.broadcast %div3A_45 : f32 to vector<1024x1xf32>
    %div3A_47 = arith.divf %broadcast_in_dim3A_44, %div3A_46 : vector<1024x1xf32>
    %sub3A = vector.broadcast %div3A_47 : vector<1024x1xf32> to vector<1024x128xf32>
    %sub3A_48 = arith.subf %add3A_37, %sub3A : vector<1024x128xf32>
    %integer_pow3A = arith.mulf %sub3A_48, %sub3A_48 : vector<1024x128xf32>
    %reduce_sum3A_49 = arith.constant dense<0.000000e+00> : vector<1024xf32>
    %reduce_sum3A_50 = vector.multi_reduction <add>, %integer_pow3A, %reduce_sum3A_49 [1] : vector<1024x128xf32> to vector<1024xf32>
    %broadcast_in_dim3A_51 = vector.shape_cast %reduce_sum3A_50 : vector<1024xf32> to vector<1024x1xf32>
    %div3A_52 = arith.constant 1.280000e+02 : f32
    %div3A_53 = vector.broadcast %div3A_52 : f32 to vector<1024x1xf32>
    %div3A_54 = arith.divf %broadcast_in_dim3A_51, %div3A_53 : vector<1024x1xf32>
    %sub3A_55 = vector.broadcast %div3A_47 : vector<1024x1xf32> to vector<1024x128xf32>
    %sub3A_56 = arith.subf %add3A_37, %sub3A_55 : vector<1024x128xf32>
    %add3A_57 = arith.constant 9.99999974E-6 : f32
    %add3A_58 = vector.broadcast %add3A_57 : f32 to vector<1024x1xf32>
    %add3A_59 = arith.addf %div3A_54, %add3A_58 : vector<1024x1xf32>
    %rsqrt3A = math.rsqrt %add3A_59 : vector<1024x1xf32>
    %mul3A = vector.broadcast %rsqrt3A : vector<1024x1xf32> to vector<1024x128xf32>
    %mul3A_60 = arith.mulf %sub3A_56, %mul3A : vector<1024x128xf32>
    %broadcast_in_dim3A_61 = vector.shape_cast %get3A_39 : vector<128xf32> to vector<1x128xf32>
    %mul3A_62 = vector.broadcast %broadcast_in_dim3A_61 : vector<1x128xf32> to vector<1024x128xf32>
    %mul3A_63 = arith.mulf %mul3A_60, %mul3A_62 : vector<1024x128xf32>
    %broadcast_in_dim3A_64 = vector.shape_cast %get3A_41 : vector<128xf32> to vector<1x128xf32>
    %add3A_65 = vector.broadcast %broadcast_in_dim3A_64 : vector<1x128xf32> to vector<1024x128xf32>
    %add3A_66 = arith.addf %mul3A_63, %add3A_65 : vector<1024x128xf32>
    %swap3A = arith.constant 0 : index
    %swap3A_67 = arith.constant 0 : index
    %swap3A_68 = vector.load %arg9[%swap3A, %swap3A_67] : memref<1024x128xf32, #tpu.memory_space<vmem>>, vector<1024x128xf32>
    tpu.vector_store %arg9[%swap3A, %swap3A_67], %add3A_66 {strides = array<i32>} : memref<1024x128xf32, #tpu.memory_space<vmem>>, vector<1024x128xf32>,
    return
  }
  func.func @transform_0(%arg0: i32) -> (i32, i32) {
    %c0_i32 = arith.constant 0 : i32
    %c0_i32_0 = arith.constant 0 : i32
    return %arg0, %c0_i32 : i32, i32
  }
  func.func @transform_1(%arg0: i32) -> (i32, i32, i32) {
    %c0_i32 = arith.constant 0 : i32
    %c0_i32_0 = arith.constant 0 : i32
    %c0_i32_1 = arith.constant 0 : i32
    return %c0_i32, %arg0, %c0_i32_0 : i32, i32, i32
  }
  func.func @transform_2(%arg0: i32) -> (i32, i32) {
    %c0_i32 = arith.constant 0 : i32
    %c0_i32_0 = arith.constant 0 : i32
    return %c0_i32, %arg0 : i32, i32
  }
  func.func @transform_3(%arg0: i32) -> (i32, i32) {
    %c0_i32 = arith.constant 0 : i32
    %c0_i32_0 = arith.constant 0 : i32
    %c0_i32_1 = arith.constant 0 : i32
    return %c0_i32, %c0_i32_0 : i32, i32
  }
  func.func @transform_4(%arg0: i32) -> i32 {
    %c0_i32 = arith.constant 0 : i32
    %c0_i32_0 = arith.constant 0 : i32
    return %c0_i32 : i32
  }
  func.func @transform_5(%arg0: i32) -> (i32, i32) {
    %c0_i32 = arith.constant 0 : i32
    %c0_i32_0 = arith.constant 0 : i32
    %c0_i32_1 = arith.constant 0 : i32
    return %c0_i32, %c0_i32_0 : i32, i32
  }
  func.func @transform_6(%arg0: i32) -> i32 {
    %c0_i32 = arith.constant 0 : i32
    %c0_i32_0 = arith.constant 0 : i32
    return %c0_i32 : i32
  }
  func.func @transform_7(%arg0: i32) -> i32 {
    %c0_i32 = arith.constant 0 : i32
    %c0_i32_0 = arith.constant 0 : i32
    return %c0_i32 : i32
  }
  func.func @transform_8(%arg0: i32) -> (i32, i32) {
    %c0_i32 = arith.constant 0 : i32
    %c0_i32_0 = arith.constant 0 : i32
    return %arg0, %c0_i32 : i32, i32
  }
}

</mosaic_0001>

<sc_bundles>
// kernel: kernel.10.cloned.1.call-start
scs
__scs_entry_jumppad:
0x0: {  	(pc) =	sbr.rel $0x88, $3  }
0x1: {  	(tag) =	ssettag $0x0;
	lr =	simm.s32 $0x1  }
0x2: {  	[smem:$0x3F90] =	sst lr;
	_ =	strace $0xD0000000  }
0x3: {  	_ = 	snop  }
0x4: {  	_ = 	snop  }
0x5: {  	_ = 	snop  }
0x6: {  	_ = 	snop  }
0x7: {  	_ = 	snop  }
__scs_overlays_trampoline_lowered:
0x8: {  	[smem:$0x3F9F] =	sst s0  }
0x9: {  	[smem:$0x3FA0] =	sst s1  }
0xa: {  	[smem:$0x3FA1] =	sst s2  }
0xb: {  	[smem:$0x3FA2] =	sst s3  }
0xc: {  	[smem:$0x3FA3] =	sst s4  }
0xd: {  	[smem:$0x3FA4] =	sst s5  }
0xe: {  	[smem:$0x3FA5] =	sst s6  }
0xf: {  	[smem:$0x3FA6] =	sst s7  }
0x10: {  	[smem:$0x3FA7] =	sst s8  }
0x11: {  	[smem:$0x3FA8] =	sst s9;
	s0 =	simm.s32 @!p0 $0x0  }
0x12: {  	s1 =	sld [smem:$0x3F8E];
	s0 =	simm.s32 @p0 $0x1  }
0x13: {  	[smem:$0x3FA9] =	sst s0;
	s0 =	simm.s32 @!p1 $0x0  }
0x14: {  	s2 =	sld [smem:$0x3F8D];
	s0 =	simm.s32 @p1 $0x1  }
0x15: {  	[smem:$0x3FAA] =	sst s0;
	s0 =	simm.s32 @!p2 $0x0  }
0x16: {  	s3 =	sld [smem:$0x3FDB];
	s0 =	simm.s32 @p2 $0x1  }
0x17: {  	s4 =	simm.s32 $0x1BF5;
	[smem:$0x3FAC] =	sst s0  }
0x18: {  	s0 =	sld [smem:$0x3F8F];
	_ =	swait.ge [sflag:s4], $0x0  }
0x19: {  	s7 =	sld [smem:$0x3F90]  }
0x1a: {  	s8 =	sadd.s32 $0xFFFFE003, lr  }
0x1b: {  	s9 =	sadd.s32 $0xFFFFFEF7, lr;
	s5 =	simm.s32 $0xFFFFFFFF;
	p2 =	slt.u32 s8, $0xFFFFF086  }
0x1c: {  	p1 =	slt.u32 s9, $0xF7A;
	s5 =	simm.s32 @!p2 $0x0  }
0x1d: {  	s5 =	simm.s32 @p1 $0x1;
	p0 =	seq.s32 s7, s2  }
0x1e: {  	s7 =	smul.u32 @!p0 $0xF7A, s2;
	p2 =	seq.s32 @!p0 s5, $0x0  }
0x1f: {  	s9 =	smul.u32 $0xF7A, s1;
	s8 =	simm.s32 @!p0 $0x1BF5;
	p2 =	por !p2, p0  }
0x20: {  	[sflag:s8] =	ssyncset.s32 @!p0 $0xFFFFF086;
	s6 =	sadd.s32 @!p0 s3, s7;
	s7 =	simm.s32 @!p0 $0x108  }
0x21: {  	s3 =	sadd.s32 s3, s9;
	s6 =	sadd.s32 @!p0 $0x88, s6;
	s7 =	simm.s32 @p2 $0x1082  }
0x22: {  	[simem:s7], [sflag:s8] =	dma.local @!p0 [hbm:s6], $0xF7A  }
0x23: {  	s9 =	sor.u32 $0xD0000000, s2;
	s6 =	simm.s32 $0x108;
	_ =	swait.ge @!p0 [sflag:s8], $0x0  }
0x24: {  	s3 =	sadd.s32 $0x88, s3;
	s6 =	simm.s32 @!p1 $0x1082;
	[sflag:s4] =	ssyncset.s32 $0xFFFFF086  }
0x25: {  	[simem:s6], [sflag:s4] =	dma.local [hbm:s3], $0xF7A  }
0x26: {  	[smem:$0x3F90] =	sst s1;
	(tag) =	ssettag s2;
	_ =	strace s9  }
0x27: {  	s1 =	sld [smem:$0x3FA0]  }
0x28: {  	s2 =	sld [smem:$0x3FA1]  }
0x29: {  	s4 =	sld [smem:$0x3FA3]  }
0x2a: {  	p0 =	seq.s32 s5, $0x0;
	s5 =	sld [smem:$0x3FA4]  }
0x2b: {  	s6 =	sld [smem:$0x3FA5]  }
0x2c: {  	s7 =	sld [smem:$0x3FA6]  }
0x2d: {  	s3 =	simm.s32 $0x108;
	s8 =	sld [smem:$0x3FA7]  }
0x2e: {  	s3 =	simm.s32 @!p0 $0x1082;
	s9 =	sld [smem:$0x3FA8]  }
0x2f: {  	lr =	sadd.s32 s0, s3;
	s0 =	sld [smem:$0x3F9F]  }
0x30: {  	s3 =	sld [smem:$0x3FA2]  }
0x31: {  	[smem:$0x3FAB] =	sst s10  }
0x32: {  	s10 =	sld [smem:$0x3FA9];
	_ =	sdelay $0x3  }
0x33: {  	p0 =	seq.s32 s10, $0x1;
	s10 =	sld [smem:$0x3FAB];
	_ =	sdelay $0x3  }
0x34: {  	[smem:$0x3FAB] =	sst s10  }
0x35: {  	s10 =	sld [smem:$0x3FAA];
	_ =	sdelay $0x3  }
0x36: {  	p1 =	seq.s32 s10, $0x1;
	s10 =	sld [smem:$0x3FAB];
	_ =	sdelay $0x3  }
0x37: {  	[smem:$0x3FAB] =	sst s10  }
0x38: {  	s10 =	sld [smem:$0x3FAC]  }
0x39: {  	_ = 	snop;
	(pc) =	sbr.ind lr, $3  }
0x3a: {  	_ = 	snop  }
0x3b: {  	_ = 	snop  }
0x3c: {  	p2 =	seq.s32 s10, $0x1;
	s10 =	sld [smem:$0x3FAB]  }
0x3d: {  	_ =	shalt  }
0x3e: {  	_ =	shalt  }
0x3f: {  	_ =	shalt  }
0x40: {  	_ =	shalt  }
0x41: {  	_ =	shalt  }
0x42: {  	_ =	shalt  }
0x43: {  	_ =	shalt  }
0x44: {  	_ =	shalt  }
0x45: {  	_ =	shalt  }
0x46: {  	_ =	shalt  }
0x47: {  	_ =	shalt  }
0x48: {  	_ =	shalt  }
0x49: {  	_ =	shalt  }
0x4a: {  	_ =	shalt  }
0x4b: {  	_ =	shalt  }
0x4c: {  	_ =	shalt  }
0x4d: {  	_ =	shalt  }
0x4e: {  	_ =	shalt  }
0x4f: {  	_ =	shalt  }
0x50: {  	_ =	shalt  }
0x51: {  	_ =	shalt  }
0x52: {  	_ =	shalt  }
0x53: {  	_ =	shalt  }
0x54: {  	_ =	shalt  }
0x55: {  	_ =	shalt  }
0x56: {  	_ =	shalt  }
0x57: {  	_ =	shalt  }
0x58: {  	_ =	shalt  }
0x59: {  	_ =	shalt  }
0x5a: {  	_ =	shalt  }
0x5b: {  	_ =	shalt  }
0x5c: {  	_ =	shalt  }
0x5d: {  	_ =	shalt  }
0x5e: {  	_ =	shalt  }
0x5f: {  	_ =	shalt  }
0x60: {  	_ =	shalt  }
0x61: {  	_ =	shalt  }
0x62: {  	_ =	shalt  }
0x63: {  	_ =	shalt  }
0x64: {  	_ =	shalt  }
0x65: {  	_ =	shalt  }
0x66: {  	_ =	shalt  }
0x67: {  	_ =	shalt  }
0x68: {  	_ =	shalt  }
0x69: {  	_ =	shalt  }
0x6a: {  	_ =	shalt  }
0x6b: {  	_ =	shalt  }
0x6c: {  	_ =	shalt  }
0x6d: {  	_ =	shalt  }
0x6e: {  	_ =	shalt  }
0x6f: {  	_ =	shalt  }
0x70: {  	_ =	shalt  }
0x71: {  	_ =	shalt  }
0x72: {  	_ =	shalt  }
0x73: {  	_ =	shalt  }
0x74: {  	_ =	shalt  }
0x75: {  	_ =	shalt  }
0x76: {  	_ =	shalt  }
0x77: {  	_ =	shalt  }
0x78: {  	_ =	shalt  }
0x79: {  	_ =	shalt  }
0x7a: {  	_ =	shalt  }
0x7b: {  	_ =	shalt  }
0x7c: {  	_ =	shalt  }
0x7d: {  	_ =	shalt  }
0x7e: {  	_ =	shalt  }
0x7f: {  	_ =	shalt  }
0x80: {  	_ =	shalt  }
0x81: {  	_ =	shalt  }
0x82: {  	_ =	shalt  }
0x83: {  	_ =	shalt  }
0x84: {  	_ =	shalt  }
0x85: {  	_ =	shalt  }
0x86: {  	_ =	shalt  }
0x87: {  	_ =	shalt  }
.Lfunc_end0:
.L_simem_size_0:
called_computation.1_lowered:
.L_overlay_start_0:
0x88: {  	s2 =	sld [smem:$0x3FD9]  }
0x89: {  	s3 =	sld [smem:$0x3FFE];
	_ =	sdelay $0x1  }
0x8a: {  	s1 =	srdreg.scid  }
0x8b: {  	s0 =	sand.u32 $0x1, s1  }
0x8c: {  	s14 =	sshll.u32 s0, $0xA;
	s2 =	sadd.s32 s3, s2  }
0x8d: {  	s2 =	sadd.s32 s2, s14  }
0x8e: {  	[smem:$0x3FB7] =	sst s2  }
0x8f: {  	_ = 	snop  }
0x90: {  	s2 =	sld [smem:$0x3FD0];
	_ =	sdelay $0x2  }
0x91: {  	s15 =	simm.s32 $0xA;
	s4 =	simm.s32 $0x10  }
0x92: {  	[smem:s4], [sflag:s15] =	dma.local [hbm:s2], $0x1  }
0x93: {  	_ =	swait.eq [sflag:s15], $0x1  }
0x94: {  	[sflag:s15] =	ssyncset.done $0x0  }
0x95: {  	[sflag:s15] =	ssyncadd.s32 $0xFFFFFFFF  }
0x96: {  	s16 =	sld [smem:$0x11];
	(tm) =	ssettm $0x1  }
0x97: {  	s17 =	sld [smem:$0x3FFB];
	_ =	sdelay $0x3  }
0x98: {  	_ =	strace s17  }
0x99: {  	s3 =	sld [smem:$0x3FFC];
	_ =	sdelay $0x3  }
0x9a: {  	_ =	strace s3  }
0x9b: {  	s3 =	sld [smem:$0x3FFD];
	_ =	sdelay $0x3  }
0x9c: {  	_ =	strace s3  }
0x9d: {  	_ =	strace $0x8FFFFFFF  }
0x9e: {  	s18 =	sld [smem:$0x3FDB];
	_ =	sdelay $0x1  }
0x9f: {  	s19 =	simm.s32 $_scs_section_size  }
0xa0: {  	s5 =	simm.s32 $_size__tile_overlayer_lowered;
	s6 =	simm.s32 $_tile_overlayer_lowered  }
0xa1: {  	s22 =	simm.s32 $0x1BFF;
	s21 =	sshll.u32 s6, $0x1;
	s3 =	sadd.s32 s19, s18  }
0xa2: {  	s7 =	simm.s32 $0x0;
	s20 =	sshll.u32 s5, $0x1;
	s5 =	sadd.s32 s21, s3  }
0xa3: {  	[timem:s7], [sflag:s22] =	dma.local [hbm:s5], s20  }
0xa4: {  	_ =	swait.ge [sflag:s22], s20  }
0xa5: {  	s4 =	ssub.s32 $0x0, s20;
	[sflag:s22] =	ssyncset.done $0x0  }
0xa6: {  	[sflag:s22] =	ssyncadd.s32 s4;
	_ =	sdelay $0x1  }
0xa7: {  	s23 =	simm.s32 $0x1B8B  }
0xa8: {  	_ =	swait.ge [sflag:s23], $0x1  }
0xa9: {  	[sflag:s23] =	ssyncset.done $0x0  }
0xaa: {  	s25 =	simm.s32 $0x1B8E;
	s24 =	sld [smem:$0x3FFE];
	[sflag:s23] =	ssyncadd.s32 $0xFFFFFFFF  }
0xab: {  	s26 =	simm.s32 $execute0_lowered;
	[smem:$0x3FD2] =	sst s25  }
0xac: {  	s5 =	sshll.u32 s26, $0x1;
	_ =	strace $0x80000049;
	[dreg:$0x1] =	wrdreg $0xFFFFFFFF  }
0xad: {  	s28 =	simm.s32 $_size_execute0_lowered;
	s3 =	sadd.s32 s3, s5;
	[dreg:$0x0] =	wrdreg $0x0  }
0xae: {  	s5 =	sshll.u32 s28, $0x1;
	[dreg:$0x2] =	wrdreg s3  }
0xaf: {  	[dreg:$0x3] =	wrdreg s5  }
0xb0: {  	[dreg:$0x4] =	wrdreg $0xC0  }
0xb1: {  	_ =	task [dreg:s7], $0x5FFFF  }
0xb2: {  	[dreg:$0x1] =	wrdreg $0xFFFFFFFF  }
0xb3: {  	[dreg:$0x0] =	wrdreg $0x60  }
0xb4: {  	[dreg:$0x2] =	wrdreg s16  }
0xb5: {  	[dreg:$0x3] =	wrdreg s24  }
0xb6: {  	[dreg:$0x4] =	wrdreg $0x82000  }
0xb7: {  	[dreg:$0x5] =	wrdreg $0x9  }
0xb8: {  	_ =	task.clear_ibuf [dreg:s7], $0x6FFFF;
	_ =	strace $0x90000049  }
0xb9: {  	s29 =	simm.s32 $0x9;
	_ =	strace $0x8000004B  }
0xba: {  	_ =	swait.ge [sflag:s29], $0x1  }
0xbb: {  	[sflag:s29] =	ssyncadd.s32 $0xFFFFFFFF  }
0xbc: {  	_ =	strace $0x9000004B  }
0xbd: {  	_ =	sfence  }
0xbe: {  	s30 =	sld [smem:$0x0];
	_ =	sdelay $0x2  }
0xbf: {  	s31 =	sshll.u32 s1, $0xD;
	s1 =	sshrl.u32 s1, $0x2  }
0xc0: {  	s3 =	sand.u32 $0x4000, s31;
	s1 =	sadd.s32 s1, s30  }
0xc1: {  	s0 =	sor.u32 s3, s0;
	s1 =	sshll.u32 s1, $0x11  }
0xc2: {  	s0 =	sor.u32 s1, s0  }
0xc3: {  	s0 =	sadd.s32 $0x8F2B, s0  }
0xc4: {  	[sflag:s0] =	ssyncadd.remote.s32 $0x1  }
0xc5: {  	_ =	sfence.sel $0xFFFF  }
0xc6: {  	[dreg:$0x0] =	wrdreg $0xFFFFFFFF;
	(pc) =	sbr.abs _section_cstart, $3  }
0xc7: {  	[dreg:$0x1] =	wrdreg $0xFFFFFFFF  }
0xc8: {  	_ =	task.clear_ibuf [dreg:s7], $0x2FFFF;
	_ =	strace $0x9FFFFFFF  }
0xc9: {  	(tm) =	ssettm $0x7FFFFFFF  }
tec
execute0_lowered:
.L_overlay_start_1:
0x0: {  	(tag) =	ssettag $0x1  }
0x1: {  	s2 =	rddreg [dreg:$0x0]  }
0x2: {  	s0 =	rddreg [dreg:$0x1]  }
0x3: {  	s3 =	rddreg [dreg:$0x2]  }
0x4: {  	s13 =	stileid.u32;
	s1 =	srdreg.scid;
	s4 =	simm.s32 $0x0  }
0x5: {  	s28 =	simm.s32 $0x200;
	s29 =	simm.s32 $0x4;
	s30 =	simm.s32 $0x4200  }
0x6: {  	s31 =	simm.s32 $0x1;
	s5 =	smul.u32 $0x13C00, s13;
	s1 =	sand.u32 $0x1, s1  }
0x7: {  	[smem:$0x7FF] =	sst s4;
	s8 =	sadd.s32 $0xE000, s0;
	s10 =	smul.u32 $0x4F000, s13  }
0x8: {  	s9 =	sadd.s32 $0x4200, s0;
	s19 =	sshll.u32 s13, $0x6;
	s6 =	smul.u32 $0x13C000, s1  }
0x9: {  	_ =	strace $0x8000004A;
	s16 =	ssub.s32 $0x2, s1;
	s18 =	sshll.u32 s1, $0x4  }
0xa: {  	s26 =	sshll.u32 s1, $0x8;
	s7 =	sshrl.u32 s5, $0x3;
	s17 =	sshrl.u32 s16, $0x1  }
0xb: {  	s10 =	sshrl.u32 s10, $0x2;
	s1 =	sadd.s32 s26, s9;
	s5 =	sadd.s32 s5, s6  }
0xc: {  	s7 =	sadd.s32 s7, s0;
	s6 =	sor.u32 s13, s18;
	s10 =	sadd.s32 s10, s3  }
0xd: {  	s5 =	sshrl.u32 s5, $0x3;
	[dreg:$0x4] =	wrdreg s10;
	s7 =	sadd.s32 $0x17E00, s7  }
0xe: {  	s12 =	sshll.u32 s6, $0x4;
	p0 =	sgt.u32 s6, $0x3;
	s6 =	simm.s32 $0x0  }
0xf: {  	s0 =	sadd.s32 s5, s0;
	s5 =	ssub.s32 s16, s17;
	[dreg:$0x5] =	wrdreg s7  }
0x10: {  	s7 =	sor.u32 $0x1C07, s19;
	s20 =	sadd.s32 s8, s12;
	s21 =	sadd.s32 s9, s12  }
0x11: {  	s11 =	sor.u32 $0x200, s12;
	s17 =	sor.u32 $0x400, s12;
	[dreg:$0x6] =	wrdreg s20  }
0x12: {  	s19 =	sor.u32 $0x600, s12;
	[dreg:$0x7] =	wrdreg s21;
	s21 =	sshll.u32 s13, $0x4  }
0x13: {  	s22 =	sadd.s32 s8, s11;
	s23 =	sadd.s32 s9, s11;
	s14 =	sadd.s32 $0x3F600, s0  }
0x14: {  	s15 =	smax.u32 s5, $0x1;
	s16 =	sadd.s32 s8, s17;
	s17 =	sadd.s32 s9, s17  }
0x15: {  	s18 =	sadd.s32 s8, s19;
	s19 =	sadd.s32 s9, s19;
	s0 =	sadd.s32 s26, s8  }
0x16: {  	s26 =	simm.s32 $0x3;
	s5 =	simm.s32 $0x6;
	[dreg:$0x8] =	wrdreg s22  }
.Ltmp0:
0x17: {  	[dreg:$0x9] =	wrdreg s23;
	s13 =	sor.u32 $0x9C00, s21;
	(pc) =	sbr.rel .LBB2_1-.Ltmp0, $4  }
0x18: {  	s20 =	sadd.s32 s21, s1;
	s21 =	sadd.s32 s21, s0;
	s22 =	simm.s32 $0x7  }
0x19: {  	s23 =	simm.s32 $0x100;
	s0 =	simm.s32 $0x5;
	s24 =	sadd.s32 s8, s13  }
0x1a: {  	s1 =	simm.s32 $0x2;
	s25 =	sadd.s32 s9, s13;
	[dreg:$0xa] =	wrdreg s24  }
0x1b: {  	[dreg:$0xb] =	wrdreg s25;
	s24 =	simm.s32 $0x80;
	s25 =	simm.s32 $0x180  }
.LBB2_4:
0x1c: {  	_ =	swait.ge [sflag:s0], $0x80  }
0x1d: {  	[sflag:s0] =	ssyncset.done $0x0  }
0x1e: {  	[sflag:s0] =	ssyncadd.s32 $0xFFFFFF80  }
0x1f: {  	[spmem:s3] =	stream.indirect.scatter.add.f32 [tilespmem:s28], [sflag:$0x7], $0x80, s23, s24, $0xb8;
	[tilespmem:$0x1BE00] =	vst v63  }
0x20: {  	_ =	swait.ge [sflag:s22], $0x4000  }
0x21: {  	[sflag:s22] =	ssyncset.done $0x0  }
0x22: {  	[sflag:s22] =	ssyncadd.s32 $0xFFFFC000  }
0x23: {  	_ =	swait.ge [sflag:s1], $0x4000  }
0x24: {  	[sflag:s1] =	ssyncset.done $0x0  }
0x25: {  	[sflag:s1] =	ssyncadd.s32 $0xFFFFC000  }
0x26: {  	_ =	swait.ge [sflag:s5], $0x80  }
0x27: {  	[sflag:s5] =	ssyncset.done $0x0  }
0x28: {  	[sflag:s5] =	ssyncadd.s32 $0xFFFFFF80  }
0x29: {  	[spmem:s3] =	stream.indirect.scatter.add.f32 [tilespmem:s30], [sflag:$0x7], $0x80, s25, s24, $0xb8;
	[tilespmem:$0x1BE00] =	vst v63  }
0x2a: {  	_ =	swait.ge [sflag:s22], $0x4000  }
0x2b: {  	[sflag:s22] =	ssyncset.done $0x0  }
0x2c: {  	s9 =	simm.s32 @!p0 $0x0;
	s10 =	rddreg [dreg:$0xa];
	[sflag:s22] =	ssyncadd.s32 $0xFFFFC000  }
0x2d: {  	[tilespmem:s9], [sflag:$0x7] =	stream.linear.gather @!p0 [hbm4b:s10+s9], $0x80, $0x38;
	[tilespmem:$0x1BE00] =	vst v63  }
0x2e: {  	s10 =	simm.s32 @!p0 $0x7  }
0x2f: {  	_ =	swait.ge @!p0 [sflag:s10], $0x80  }
0x30: {  	[sflag:s10] =	ssyncset.done @!p0 $0x0  }
0x31: {  	s11 =	simm.s32 @!p0 $0x100;
	s12 =	rddreg [dreg:$0xb];
	[sflag:s10] =	ssyncadd.s32 @!p0 $0xFFFFFF80  }
0x32: {  	[tilespmem:s11], [sflag:$0x7] =	stream.linear.gather @!p0 [hbm4b:s12+s9], $0x80, $0x38;
	[tilespmem:$0x1BE00] =	vst v63  }
0x33: {  	_ =	swait.ge @!p0 [sflag:s10], $0x80  }
0x34: {  	[sflag:s10] =	ssyncset.done @!p0 $0x0  }
0x35: {  	s13 =	simm.s32 @!p0 $0x200;
	s12 =	simm.s32 @!p0 $0x80;
	[sflag:s10] =	ssyncadd.s32 @!p0 $0xFFFFFF80  }
0x36: {  	[tilespmem:s13], [sflag:$0x1] =	stream.indirect.gather @!p0 [hbm4b:s2+s12], $0x80, s9, s12, $0xb8;
	[tilespmem:$0x1BE00] =	vst v63  }
0x37: {  	s9 =	simm.s32 @!p0 $0x1  }
0x38: {  	_ =	swait.ge @!p0 [sflag:s9], $0x4000  }
0x39: {  	[sflag:s9] =	ssyncset.done @!p0 $0x0  }
0x3a: {  	[sflag:s9] =	ssyncadd.s32 @!p0 $0xFFFFC000  }
0x3b: {  	[spmem:s3] =	stream.indirect.scatter.add.f32 @!p0 [tilespmem:s13], [sflag:$0x7], $0x80, s11, s12, $0xb8;
	[tilespmem:$0x1BE00] =	vst v63  }
0x3c: {  	_ =	swait.ge @!p0 [sflag:s10], $0x4000  }
0x3d: {  	s6 =	sadd.s32 $0x1, s6;
	[sflag:s10] =	ssyncset.done @!p0 $0x0  }
0x3e: {  	p1 =	sne.s32 s6, s15;
	[sflag:s10] =	ssyncadd.s32 @!p0 $0xFFFFC000  }
.Ltmp1:
0x3f: {  	[bflag:$0x0] =	sbarrier.arrive $0xFFFF;
	(pc) =	sbr.rel @!p1 .LBB2_5-.Ltmp1, $4  }
0x40: {  	[hbm:s14], [sflag:s7] =	dma.local [spmem:s8], $0x2780  }
0x41: {  	_ =	swait.ge [sflag:s22], $0x2780  }
0x42: {  	[sflag:s22] =	ssyncset.done $0x0  }
0x43: {  	[sflag:s22] =	ssyncadd.s32 $0xFFFFD880  }
.LBB2_1:
0x44: {  	s8 =	rddreg [dreg:$0x4]  }
0x45: {  	s9 =	rddreg [dreg:$0x5];
	s8 =	sshrl.u32 s8, $0x3  }
0x46: {  	[spmem:s8], [sflag:s7] =	dma.local [hbm:s9], $0x2780  }
0x47: {  	_ =	swait.ge [sflag:s22], $0x2780  }
0x48: {  	[sflag:s22] =	ssyncset.done $0x0  }
0x49: {  	[sflag:s22] =	ssyncadd.s32 $0xFFFFD880  }
0x4a: {  	[bflag:$0x0] =	sbarrier.arrive $0xFFFF  }
0x4b: {  	s10 =	rddreg [dreg:$0x6]  }
0x4c: {  	[tilespmem:s4], [sflag:$0x3] =	stream.linear.gather [hbm4b:s10+s4], $0x80, $0x38;
	[tilespmem:$0x1BE00] =	vst v63  }
0x4d: {  	s11 =	rddreg [dreg:$0x7]  }
0x4e: {  	[tilespmem:s23], [sflag:$0x5] =	stream.linear.gather [hbm4b:s11+s4], $0x80, $0x38;
	[tilespmem:$0x1BE00] =	vst v63  }
0x4f: {  	s12 =	rddreg [dreg:$0x8]  }
0x50: {  	[tilespmem:s24], [sflag:$0x4] =	stream.linear.gather [hbm4b:s12+s4], $0x80, $0x38;
	[tilespmem:$0x1BE00] =	vst v63  }
0x51: {  	s13 =	rddreg [dreg:$0x9]  }
0x52: {  	[tilespmem:s25], [sflag:$0x6] =	stream.linear.gather [hbm4b:s13+s4], $0x80, $0x38;
	[tilespmem:$0x1BE00] =	vst v63  }
0x53: {  	_ =	swait.ge [sflag:s26], $0x80  }
0x54: {  	[sflag:s26] =	ssyncset.done $0x0  }
0x55: {  	[sflag:s26] =	ssyncadd.s32 $0xFFFFFF80  }
0x56: {  	[tilespmem:s28], [sflag:$0x1] =	stream.indirect.gather [hbm4b:s2+s24], $0x80, s4, s24, $0xb8;
	[tilespmem:$0x1BE00] =	vst v63  }
0x57: {  	_ =	swait.ge [sflag:s29], $0x80  }
0x58: {  	[sflag:s29] =	ssyncset.done $0x0  }
0x59: {  	[sflag:s29] =	ssyncadd.s32 $0xFFFFFF80  }
0x5a: {  	[tilespmem:s30], [sflag:$0x2] =	stream.indirect.gather [hbm4b:s2+s24], $0x80, s24, s24, $0xb8;
	[tilespmem:$0x1BE00] =	vst v63  }
0x5b: {  	_ =	swait.ge [sflag:s31], $0x4000  }
0x5c: {  	[sflag:s31] =	ssyncset.done $0x0  }
0x5d: {  	[sflag:s31] =	ssyncadd.s32 $0xFFFFC000  }
0x5e: {  	[tilespmem:s4], [sflag:$0x3] =	stream.linear.gather [hbm4b:s16+s4], $0x80, $0x38;
	[tilespmem:$0x1BE00] =	vst v63  }
0x5f: {  	_ =	swait.ge [sflag:s0], $0x80  }
0x60: {  	[sflag:s0] =	ssyncset.done $0x0  }
0x61: {  	[sflag:s0] =	ssyncadd.s32 $0xFFFFFF80  }
0x62: {  	[spmem:s3] =	stream.indirect.scatter.add.f32 [tilespmem:s28], [sflag:$0x7], $0x80, s23, s24, $0xb8;
	[tilespmem:$0x1BE00] =	vst v63  }
0x63: {  	_ =	swait.ge [sflag:s22], $0x4000  }
0x64: {  	[sflag:s22] =	ssyncset.done $0x0  }
0x65: {  	[sflag:s22] =	ssyncadd.s32 $0xFFFFC000  }
0x66: {  	[tilespmem:s23], [sflag:$0x5] =	stream.linear.gather [hbm4b:s17+s4], $0x80, $0x38;
	[tilespmem:$0x1BE00] =	vst v63  }
0x67: {  	_ =	swait.ge [sflag:s26], $0x80  }
0x68: {  	[sflag:s26] =	ssyncset.done $0x0  }
0x69: {  	[sflag:s26] =	ssyncadd.s32 $0xFFFFFF80  }
0x6a: {  	[tilespmem:s28], [sflag:$0x1] =	stream.indirect.gather [hbm4b:s2+s24], $0x80, s4, s24, $0xb8;
	[tilespmem:$0x1BE00] =	vst v63  }
0x6b: {  	_ =	swait.ge [sflag:s1], $0x4000  }
0x6c: {  	[sflag:s1] =	ssyncset.done $0x0  }
0x6d: {  	[sflag:s1] =	ssyncadd.s32 $0xFFFFC000  }
0x6e: {  	[tilespmem:s24], [sflag:$0x4] =	stream.linear.gather [hbm4b:s18+s4], $0x80, $0x38;
	[tilespmem:$0x1BE00] =	vst v63  }
0x6f: {  	_ =	swait.ge [sflag:s5], $0x80  }
0x70: {  	[sflag:s5] =	ssyncset.done $0x0  }
0x71: {  	[sflag:s5] =	ssyncadd.s32 $0xFFFFFF80  }
0x72: {  	[spmem:s3] =	stream.indirect.scatter.add.f32 [tilespmem:s30], [sflag:$0x7], $0x80, s25, s24, $0xb8;
	[tilespmem:$0x1BE00] =	vst v63  }
0x73: {  	_ =	swait.ge [sflag:s22], $0x4000  }
0x74: {  	[sflag:s22] =	ssyncset.done $0x0  }
0x75: {  	s9 =	simm.s32 $0x0;
	[sflag:s22] =	ssyncadd.s32 $0xFFFFC000  }
0x76: {  	[tilespmem:s25], [sflag:$0x6] =	stream.linear.gather [hbm4b:s19+s4], $0x80, $0x38;
	[tilespmem:$0x1BE00] =	vst v63  }
.LBB2_2:
0x77: {  	_ =	swait.ge [sflag:s29], $0x80  }
0x78: {  	p1 =	seq.s32 s9, $0x9400;
	[sflag:s29] =	ssyncset.done $0x0  }
.Ltmp2:
0x79: {  	[sflag:s29] =	ssyncadd.s32 $0xFFFFFF80;
	(pc) =	sbr.rel @p1 .LBB2_4-.Ltmp2, $4  }
0x7a: {  	[tilespmem:s30], [sflag:$0x2] =	stream.indirect.gather [hbm4b:s2+s24], $0x80, s24, s24, $0xb8;
	[tilespmem:$0x1BE00] =	vst v63  }
0x7b: {  	_ =	swait.ge [sflag:s31], $0x4000  }
0x7c: {  	[sflag:s31] =	ssyncset.done $0x0  }
0x7d: {  	[sflag:s31] =	ssyncadd.s32 $0xFFFFC000  }
0x7e: {  	s10 =	sadd.s32 s9, s21  }
0x7f: {  	s11 =	sadd.s32 $0x800, s10  }
0x80: {  	[tilespmem:s4], [sflag:$0x3] =	stream.linear.gather [hbm4b:s11+s4], $0x80, $0x38;
	[tilespmem:$0x1BE00] =	vst v63  }
0x81: {  	_ =	swait.ge [sflag:s0], $0x80  }
0x82: {  	[sflag:s0] =	ssyncset.done $0x0  }
0x83: {  	[sflag:s0] =	ssyncadd.s32 $0xFFFFFF80  }
0x84: {  	[spmem:s3] =	stream.indirect.scatter.add.f32 [tilespmem:s28], [sflag:$0x7], $0x80, s23, s24, $0xb8;
	[tilespmem:$0x1BE00] =	vst v63  }
0x85: {  	_ =	swait.ge [sflag:s22], $0x4000  }
0x86: {  	s13 =	sadd.s32 s9, s20;
	[sflag:s22] =	ssyncset.done $0x0  }
0x87: {  	s12 =	sadd.s32 $0x800, s13;
	[sflag:s22] =	ssyncadd.s32 $0xFFFFC000  }
0x88: {  	[tilespmem:s23], [sflag:$0x5] =	stream.linear.gather [hbm4b:s12+s4], $0x80, $0x38;
	[tilespmem:$0x1BE00] =	vst v63  }
0x89: {  	_ =	swait.ge [sflag:s26], $0x80  }
0x8a: {  	[sflag:s26] =	ssyncset.done $0x0  }
0x8b: {  	[sflag:s26] =	ssyncadd.s32 $0xFFFFFF80  }
0x8c: {  	[tilespmem:s28], [sflag:$0x1] =	stream.indirect.gather [hbm4b:s2+s24], $0x80, s4, s24, $0xb8;
	[tilespmem:$0x1BE00] =	vst v63  }
0x8d: {  	_ =	swait.ge [sflag:s1], $0x4000  }
0x8e: {  	[sflag:s1] =	ssyncset.done $0x0  }
0x8f: {  	s10 =	sadd.s32 $0xA00, s10;
	[sflag:s1] =	ssyncadd.s32 $0xFFFFC000  }
0x90: {  	[tilespmem:s24], [sflag:$0x4] =	stream.linear.gather [hbm4b:s10+s4], $0x80, $0x38;
	[tilespmem:$0x1BE00] =	vst v63  }
0x91: {  	_ =	swait.ge [sflag:s5], $0x80  }
0x92: {  	[sflag:s5] =	ssyncset.done $0x0  }
0x93: {  	[sflag:s5] =	ssyncadd.s32 $0xFFFFFF80  }
0x94: {  	[spmem:s3] =	stream.indirect.scatter.add.f32 [tilespmem:s30], [sflag:$0x7], $0x80, s25, s24, $0xb8;
	[tilespmem:$0x1BE00] =	vst v63  }
.Ltmp3:
0x95: {  	_ = 	snop;
	(pc) =	sbr.rel .LBB2_2-.Ltmp3, $4  }
0x96: {  	_ =	swait.ge [sflag:s22], $0x4000  }
0x97: {  	[sflag:s22] =	ssyncset.done $0x0  }
0x98: {  	s9 =	sadd.s32 $0x400, s9;
	s13 =	sadd.s32 $0xA00, s13;
	[sflag:s22] =	ssyncadd.s32 $0xFFFFC000  }
0x99: {  	[tilespmem:s25], [sflag:$0x6] =	stream.linear.gather [hbm4b:s13+s4], $0x80, $0x38;
	[tilespmem:$0x1BE00] =	vst v63  }
.LBB2_5:
0x9a: {  	_ =	sfence.sel $0x180000  }
0x9b: {  	[bflag:$0x0] =	sbarrier.arrive $0xFFFF  }
0x9c: {  	_ =	strace $0x9000004A  }
0x9d: {  	s0 =	stileid.u32;
	[bflag:$0x2] =	sbarrier.arrive $0xFFFF  }
0x9e: {  	p0 =	sne.s32 s0, $0x0;
	s0 =	rddreg [dreg:$0x3]  }
0x9f: {  	s0 =	sadd.s32 @!p0 $0x100000, s0  }
0xa0: {  	[sflag:s0] =	ssyncadd.tile.s32 @!p0 $0x1;
	_ =	shalt  }
.Lfunc_end2:
_tile_overlayer_lowered:
.L_overlay_start_2:
0xa1: {  	(tag) =	ssettag $0x2  }
0xa2: {  	s0 =	rddreg [dreg:$0x0];
	s2 =	stileid.u32  }
0xa3: {  	s1 =	rddreg [dreg:$0x1];
	p0 =	sne.s32 s2, $0x0  }
0xa4: {  	s3 =	rddreg [dreg:$0x2];
	[bflag:$0x3] =	sbarrier.arrive $0xFFFF;
	s2 =	simm.s32 @!p0 $0x1C07  }
0xa5: {  	[timem:s3], [sflag:s2] =	dma.local @!p0 [hbm:s0], s1  }
0xa6: {  	s0 =	simm.s32 @!p0 $0x7  }
0xa7: {  	_ =	swait.ge @!p0 [sflag:s0], s1  }
0xa8: {  	s1 =	ssub.s32 @!p0 $0x0, s1;
	[sflag:s0] =	ssyncset.done @!p0 $0x0  }
0xa9: {  	[sflag:s0] =	ssyncadd.s32 @!p0 s1  }
0xaa: {  	[bflag:$0x3] =	sbarrier.arrive $0xFFFF  }
0xab: {  	_ =	shalt  }

// kernel: kernel.7.cloned.1.call-start
scs
__scs_entry_jumppad:
0x0: {  	(pc) =	sbr.rel $0x88, $3  }
0x1: {  	(tag) =	ssettag $0x0;
	lr =	simm.s32 $0x1  }
0x2: {  	[smem:$0x3F90] =	sst lr;
	_ =	strace $0xD0000000  }
0x3: {  	_ = 	snop  }
0x4: {  	_ = 	snop  }
0x5: {  	_ = 	snop  }
0x6: {  	_ = 	snop  }
0x7: {  	_ = 	snop  }
__scs_overlays_trampoline_lowered:
0x8: {  	[smem:$0x3F9F] =	sst s0  }
0x9: {  	[smem:$0x3FA0] =	sst s1  }
0xa: {  	[smem:$0x3FA1] =	sst s2  }
0xb: {  	[smem:$0x3FA2] =	sst s3  }
0xc: {  	[smem:$0x3FA3] =	sst s4  }
0xd: {  	[smem:$0x3FA4] =	sst s5  }
0xe: {  	[smem:$0x3FA5] =	sst s6  }
0xf: {  	[smem:$0x3FA6] =	sst s7  }
0x10: {  	[smem:$0x3FA7] =	sst s8  }
0x11: {  	[smem:$0x3FA8] =	sst s9;
	s0 =	simm.s32 @!p0 $0x0  }
0x12: {  	s1 =	sld [smem:$0x3F8E];
	s0 =	simm.s32 @p0 $0x1  }
0x13: {  	[smem:$0x3FA9] =	sst s0;
	s0 =	simm.s32 @!p1 $0x0  }
0x14: {  	s2 =	sld [smem:$0x3F8D];
	s0 =	simm.s32 @p1 $0x1  }
0x15: {  	[smem:$0x3FAA] =	sst s0;
	s0 =	simm.s32 @!p2 $0x0  }
0x16: {  	s3 =	sld [smem:$0x3FDB];
	s0 =	simm.s32 @p2 $0x1  }
0x17: {  	s4 =	simm.s32 $0x1BF5;
	[smem:$0x3FAC] =	sst s0  }
0x18: {  	s0 =	sld [smem:$0x3F8F];
	_ =	swait.ge [sflag:s4], $0x0  }
0x19: {  	s7 =	sld [smem:$0x3F90]  }
0x1a: {  	s8 =	sadd.s32 $0xFFFFE003, lr  }
0x1b: {  	s9 =	sadd.s32 $0xFFFFFEF7, lr;
	s5 =	simm.s32 $0xFFFFFFFF;
	p2 =	slt.u32 s8, $0xFFFFF086  }
0x1c: {  	p1 =	slt.u32 s9, $0xF7A;
	s5 =	simm.s32 @!p2 $0x0  }
0x1d: {  	s5 =	simm.s32 @p1 $0x1;
	p0 =	seq.s32 s7, s2  }
0x1e: {  	s7 =	smul.u32 @!p0 $0xF7A, s2;
	p2 =	seq.s32 @!p0 s5, $0x0  }
0x1f: {  	s9 =	smul.u32 $0xF7A, s1;
	s8 =	simm.s32 @!p0 $0x1BF5;
	p2 =	por !p2, p0  }
0x20: {  	[sflag:s8] =	ssyncset.s32 @!p0 $0xFFFFF086;
	s6 =	sadd.s32 @!p0 s3, s7;
	s7 =	simm.s32 @!p0 $0x108  }
0x21: {  	s3 =	sadd.s32 s3, s9;
	s6 =	sadd.s32 @!p0 $0x88, s6;
	s7 =	simm.s32 @p2 $0x1082  }
0x22: {  	[simem:s7], [sflag:s8] =	dma.local @!p0 [hbm:s6], $0xF7A  }
0x23: {  	s9 =	sor.u32 $0xD0000000, s2;
	s6 =	simm.s32 $0x108;
	_ =	swait.ge @!p0 [sflag:s8], $0x0  }
0x24: {  	s3 =	sadd.s32 $0x88, s3;
	s6 =	simm.s32 @!p1 $0x1082;
	[sflag:s4] =	ssyncset.s32 $0xFFFFF086  }
0x25: {  	[simem:s6], [sflag:s4] =	dma.local [hbm:s3], $0xF7A  }
0x26: {  	[smem:$0x3F90] =	sst s1;
	(tag) =	ssettag s2;
	_ =	strace s9  }
0x27: {  	s1 =	sld [smem:$0x3FA0]  }
0x28: {  	s2 =	sld [smem:$0x3FA1]  }
0x29: {  	s4 =	sld [smem:$0x3FA3]  }
0x2a: {  	p0 =	seq.s32 s5, $0x0;
	s5 =	sld [smem:$0x3FA4]  }
0x2b: {  	s6 =	sld [smem:$0x3FA5]  }
0x2c: {  	s7 =	sld [smem:$0x3FA6]  }
0x2d: {  	s3 =	simm.s32 $0x108;
	s8 =	sld [smem:$0x3FA7]  }
0x2e: {  	s3 =	simm.s32 @!p0 $0x1082;
	s9 =	sld [smem:$0x3FA8]  }
0x2f: {  	lr =	sadd.s32 s0, s3;
	s0 =	sld [smem:$0x3F9F]  }
0x30: {  	s3 =	sld [smem:$0x3FA2]  }
0x31: {  	[smem:$0x3FAB] =	sst s10  }
0x32: {  	s10 =	sld [smem:$0x3FA9];
	_ =	sdelay $0x3  }
0x33: {  	p0 =	seq.s32 s10, $0x1;
	s10 =	sld [smem:$0x3FAB];
	_ =	sdelay $0x3  }
0x34: {  	[smem:$0x3FAB] =	sst s10  }
0x35: {  	s10 =	sld [smem:$0x3FAA];
	_ =	sdelay $0x3  }
0x36: {  	p1 =	seq.s32 s10, $0x1;
	s10 =	sld [smem:$0x3FAB];
	_ =	sdelay $0x3  }
0x37: {  	[smem:$0x3FAB] =	sst s10  }
0x38: {  	s10 =	sld [smem:$0x3FAC]  }
0x39: {  	_ = 	snop;
	(pc) =	sbr.ind lr, $3  }
0x3a: {  	_ = 	snop  }
0x3b: {  	_ = 	snop  }
0x3c: {  	p2 =	seq.s32 s10, $0x1;
	s10 =	sld [smem:$0x3FAB]  }
0x3d: {  	_ =	shalt  }
0x3e: {  	_ =	shalt  }
0x3f: {  	_ =	shalt  }
0x40: {  	_ =	shalt  }
0x41: {  	_ =	shalt  }
0x42: {  	_ =	shalt  }
0x43: {  	_ =	shalt  }
0x44: {  	_ =	shalt  }
0x45: {  	_ =	shalt  }
0x46: {  	_ =	shalt  }
0x47: {  	_ =	shalt  }
0x48: {  	_ =	shalt  }
0x49: {  	_ =	shalt  }
0x4a: {  	_ =	shalt  }
0x4b: {  	_ =	shalt  }
0x4c: {  	_ =	shalt  }
0x4d: {  	_ =	shalt  }
0x4e: {  	_ =	shalt  }
0x4f: {  	_ =	shalt  }
0x50: {  	_ =	shalt  }
0x51: {  	_ =	shalt  }
0x52: {  	_ =	shalt  }
0x53: {  	_ =	shalt  }
0x54: {  	_ =	shalt  }
0x55: {  	_ =	shalt  }
0x56: {  	_ =	shalt  }
0x57: {  	_ =	shalt  }
0x58: {  	_ =	shalt  }
0x59: {  	_ =	shalt  }
0x5a: {  	_ =	shalt  }
0x5b: {  	_ =	shalt  }
0x5c: {  	_ =	shalt  }
0x5d: {  	_ =	shalt  }
0x5e: {  	_ =	shalt  }
0x5f: {  	_ =	shalt  }
0x60: {  	_ =	shalt  }
0x61: {  	_ =	shalt  }
0x62: {  	_ =	shalt  }
0x63: {  	_ =	shalt  }
0x64: {  	_ =	shalt  }
0x65: {  	_ =	shalt  }
0x66: {  	_ =	shalt  }
0x67: {  	_ =	shalt  }
0x68: {  	_ =	shalt  }
0x69: {  	_ =	shalt  }
0x6a: {  	_ =	shalt  }
0x6b: {  	_ =	shalt  }
0x6c: {  	_ =	shalt  }
0x6d: {  	_ =	shalt  }
0x6e: {  	_ =	shalt  }
0x6f: {  	_ =	shalt  }
0x70: {  	_ =	shalt  }
0x71: {  	_ =	shalt  }
0x72: {  	_ =	shalt  }
0x73: {  	_ =	shalt  }
0x74: {  	_ =	shalt  }
0x75: {  	_ =	shalt  }
0x76: {  	_ =	shalt  }
0x77: {  	_ =	shalt  }
0x78: {  	_ =	shalt  }
0x79: {  	_ =	shalt  }
0x7a: {  	_ =	shalt  }
0x7b: {  	_ =	shalt  }
0x7c: {  	_ =	shalt  }
0x7d: {  	_ =	shalt  }
0x7e: {  	_ =	shalt  }
0x7f: {  	_ =	shalt  }
0x80: {  	_ =	shalt  }
0x81: {  	_ =	shalt  }
0x82: {  	_ =	shalt  }
0x83: {  	_ =	shalt  }
0x84: {  	_ =	shalt  }
0x85: {  	_ =	shalt  }
0x86: {  	_ =	shalt  }
0x87: {  	_ =	shalt  }
.Lfunc_end0:
.L_simem_size_0:
called_computation_lowered:
.L_overlay_start_0:
0x88: {  	s2 =	sld [smem:$0x3FD9]  }
0x89: {  	s3 =	sld [smem:$0x3FFE];
	_ =	sdelay $0x1  }
0x8a: {  	s1 =	srdreg.scid  }
0x8b: {  	s0 =	sand.u32 $0x1, s1  }
0x8c: {  	s14 =	sshll.u32 s0, $0xA;
	s2 =	sadd.s32 s3, s2  }
0x8d: {  	s2 =	sadd.s32 s2, s14  }
0x8e: {  	[smem:$0x3FB7] =	sst s2  }
0x8f: {  	_ = 	snop  }
0x90: {  	s2 =	sld [smem:$0x3FD0];
	_ =	sdelay $0x2  }
0x91: {  	s15 =	simm.s32 $0xA;
	s4 =	simm.s32 $0x10  }
0x92: {  	[smem:s4], [sflag:s15] =	dma.local [hbm:s2], $0x1  }
0x93: {  	_ =	swait.eq [sflag:s15], $0x1  }
0x94: {  	[sflag:s15] =	ssyncset.done $0x0  }
0x95: {  	s16 =	sld [smem:$0x10];
	[sflag:s15] =	ssyncadd.s32 $0xFFFFFFFF  }
0x96: {  	s17 =	sld [smem:$0x11];
	(tm) =	ssettm $0x1  }
0x97: {  	s18 =	sld [smem:$0x3FFB];
	_ =	sdelay $0x3  }
0x98: {  	_ =	strace s18  }
0x99: {  	s4 =	sld [smem:$0x3FFC];
	_ =	sdelay $0x3  }
0x9a: {  	_ =	strace s4  }
0x9b: {  	s4 =	sld [smem:$0x3FFD];
	_ =	sdelay $0x3  }
0x9c: {  	_ =	strace s4  }
0x9d: {  	_ =	strace $0x8FFFFFFF  }
0x9e: {  	s19 =	sld [smem:$0x3FDB];
	_ =	sdelay $0x1  }
0x9f: {  	s5 =	simm.s32 $_scs_section_size  }
0xa0: {  	s6 =	simm.s32 $_size__tile_overlayer_lowered;
	s7 =	simm.s32 $_tile_overlayer_lowered  }
0xa1: {  	s22 =	simm.s32 $0x1BFF;
	s21 =	sshll.u32 s7, $0x1;
	s4 =	sadd.s32 s5, s19  }
0xa2: {  	s8 =	simm.s32 $0x0;
	s20 =	sshll.u32 s6, $0x1;
	s6 =	sadd.s32 s21, s4  }
0xa3: {  	[timem:s8], [sflag:s22] =	dma.local [hbm:s6], s20  }
0xa4: {  	_ =	swait.ge [sflag:s22], s20  }
0xa5: {  	s5 =	ssub.s32 $0x0, s20;
	[sflag:s22] =	ssyncset.done $0x0  }
0xa6: {  	[sflag:s22] =	ssyncadd.s32 s5;
	_ =	sdelay $0x1  }
0xa7: {  	s23 =	simm.s32 $0x1B8B  }
0xa8: {  	_ =	swait.ge [sflag:s23], $0x1  }
0xa9: {  	[sflag:s23] =	ssyncset.done $0x0  }
0xaa: {  	s25 =	simm.s32 $0x1B8E;
	s24 =	sld [smem:$0x3FFE];
	[sflag:s23] =	ssyncadd.s32 $0xFFFFFFFF  }
0xab: {  	s26 =	simm.s32 $execute0_lowered;
	[smem:$0x3FD2] =	sst s25  }
0xac: {  	s6 =	sshll.u32 s26, $0x1;
	_ =	strace $0x80000046;
	[dreg:$0x1] =	wrdreg $0xFFFFFFFF  }
0xad: {  	s28 =	simm.s32 $_size_execute0_lowered;
	s4 =	sadd.s32 s4, s6;
	[dreg:$0x0] =	wrdreg $0x0  }
0xae: {  	s6 =	sshll.u32 s28, $0x1;
	[dreg:$0x2] =	wrdreg s4  }
0xaf: {  	[dreg:$0x3] =	wrdreg s6  }
0xb0: {  	[dreg:$0x4] =	wrdreg $0xC0  }
0xb1: {  	_ =	task [dreg:s8], $0x5FFFF  }
0xb2: {  	[dreg:$0x1] =	wrdreg $0xFFFFFFFF  }
0xb3: {  	[dreg:$0x0] =	wrdreg $0x60  }
0xb4: {  	[dreg:$0x2] =	wrdreg s17  }
0xb5: {  	[dreg:$0x3] =	wrdreg s24  }
0xb6: {  	[dreg:$0x4] =	wrdreg s16  }
0xb7: {  	[dreg:$0x5] =	wrdreg $0x82000  }
0xb8: {  	[dreg:$0x6] =	wrdreg $0x9  }
0xb9: {  	_ =	task.clear_ibuf [dreg:s8], $0x7FFFF;
	_ =	strace $0x90000046  }
0xba: {  	s29 =	simm.s32 $0x9;
	_ =	strace $0x80000048  }
0xbb: {  	_ =	swait.ge [sflag:s29], $0x1  }
0xbc: {  	[sflag:s29] =	ssyncadd.s32 $0xFFFFFFFF  }
0xbd: {  	_ =	strace $0x90000048  }
0xbe: {  	_ =	sfence  }
0xbf: {  	s30 =	sld [smem:$0x0];
	_ =	sdelay $0x2  }
0xc0: {  	s31 =	sshll.u32 s1, $0xD;
	s1 =	sshrl.u32 s1, $0x2  }
0xc1: {  	s3 =	sand.u32 $0x4000, s31;
	s1 =	sadd.s32 s1, s30  }
0xc2: {  	s0 =	sor.u32 s3, s0;
	s1 =	sshll.u32 s1, $0x11  }
0xc3: {  	s0 =	sor.u32 s1, s0  }
0xc4: {  	s0 =	sadd.s32 $0x8F2B, s0  }
0xc5: {  	[sflag:s0] =	ssyncadd.remote.s32 $0x1  }
0xc6: {  	_ =	sfence.sel $0xFFFF  }
0xc7: {  	[dreg:$0x0] =	wrdreg $0xFFFFFFFF;
	(pc) =	sbr.abs _section_cstart, $3  }
0xc8: {  	[dreg:$0x1] =	wrdreg $0xFFFFFFFF  }
0xc9: {  	_ =	task.clear_ibuf [dreg:s8], $0x2FFFF;
	_ =	strace $0x9FFFFFFF  }
0xca: {  	(tm) =	ssettm $0x7FFFFFFF  }
0xcb: {  	_ =	shalt  }
tec
execute0_lowered:
.L_overlay_start_1:
0x0: {  	(tag) =	ssettag $0x1  }
0x1: {  	s1 =	rddreg [dreg:$0x0]  }
0x2: {  	s0 =	rddreg [dreg:$0x1]  }
0x3: {  	s2 =	rddreg [dreg:$0x2]  }
0x4: {  	s3 =	rddreg [dreg:$0x3]  }
0x5: {  	s10 =	stileid.u32;
	s5 =	srdreg.scid  }
0x6: {  	s4 =	simm.s32 $0x0;
	s28 =	simm.s32 $0x4;
	s29 =	simm.s32 $0x4200  }
0x7: {  	s30 =	simm.s32 $0x1;
	s31 =	simm.s32 $0x5;
	s6 =	smul.u32 $0x13C00, s10  }
0x8: {  	s5 =	sand.u32 $0x1, s5;
	[smem:$0x7FF] =	sst s4;
	s18 =	sadd.s32 $0xE000, s0  }
0x9: {  	s19 =	sadd.s32 $0x4200, s0;
	s9 =	smul.u32 $0x4F000, s10;
	s11 =	sadd.s32 $0x3F600, s0  }
0xa: {  	s15 =	sshll.u32 s10, $0x6;
	s21 =	sshll.u32 s10, $0x7;
	s7 =	smul.u32 $0x13C000, s5  }
0xb: {  	_ =	strace $0x80000047;
	s12 =	ssub.s32 $0x2, s5;
	[dreg:$0x5] =	wrdreg s11  }
0xc: {  	s14 =	sshll.u32 s5, $0x4;
	s25 =	sshll.u32 s5, $0x8;
	s5 =	simm.s32 $0x0  }
0xd: {  	s8 =	sshrl.u32 s6, $0x3;
	s13 =	sshrl.u32 s12, $0x1;
	s9 =	sshrl.u32 s9, $0x2  }
0xe: {  	s26 =	sadd.s32 s25, s19;
	s8 =	sadd.s32 s8, s0;
	s6 =	sadd.s32 s6, s7  }
0xf: {  	s7 =	sor.u32 s10, s14;
	s9 =	sadd.s32 s9, s3;
	s6 =	sshrl.u32 s6, $0x3  }
0x10: {  	[dreg:$0x6] =	wrdreg s9;
	s8 =	sadd.s32 $0x17E00, s8;
	s16 =	sshll.u32 s7, $0x4  }
0x11: {  	p0 =	sgt.u32 s7, $0x3;
	s0 =	sadd.s32 s6, s0;
	s6 =	ssub.s32 s12, s13  }
0x12: {  	[dreg:$0x7] =	wrdreg s8;
	s8 =	sor.u32 $0x1C07, s15;
	s17 =	sadd.s32 s18, s16  }
0x13: {  	s20 =	sadd.s32 s19, s16;
	s12 =	sshrl.u32 s7, $0x3;
	s13 =	sor.u32 $0x200, s16  }
0x14: {  	s15 =	sand.u32 $0x380, s21;
	s21 =	simm.s32 $0x1BE00;
	[dreg:$0x8] =	wrdreg s17  }
0x15: {  	[dreg:$0x9] =	wrdreg s20;
	s14 =	smul.u32 $0x13C00, s12;
	s22 =	sadd.s32 s18, s13  }
0x16: {  	s20 =	sshll.u32 s10, $0x4;
	s23 =	sadd.s32 s19, s13;
	[dreg:$0xa] =	wrdreg s22  }
0x17: {  	s17 =	smax.u32 s6, $0x1;
	[dreg:$0xb] =	wrdreg s23;
	s16 =	sor.u32 $0x9C00, s20  }
0x18: {  	s22 =	simm.s32 $0x100;
	s23 =	simm.s32 $0x80;
	s15 =	sor.u32 s15, s14  }
.Ltmp0:
0x19: {  	s13 =	sadd.s32 s18, s16;
	s14 =	sadd.s32 s19, s16;
	(pc) =	sbr.rel .LBB2_1-.Ltmp0, $4  }
0x1a: {  	s24 =	sshrl.u32 s15, $0x3;
	s15 =	sadd.s32 $0x3FC00, s0;
	s0 =	sadd.s32 s25, s18  }
0x1b: {  	s18 =	sadd.s32 s20, s26;
	s25 =	simm.s32 $0x3;
	s26 =	simm.s32 $0x200  }
0x1c: {  	s16 =	sadd.s32 s2, s24;
	s19 =	sadd.s32 s20, s0;
	s20 =	simm.s32 $0x7  }
0x1d: {  	v0 =	vimm.f32 $1.000000000e+00;
	s24 =	simm.s32 $0x180;
	s0 =	simm.s32 $0x2;
	s2 =	simm.s32 $0x6  }
.LBB2_4:
0x1e: {  	s7 =	simm.s32 @!p0 $0x0;
	s9 =	simm.s32 @!p0 $0x7  }
0x1f: {  	[tilespmem:s7], [sflag:$0x7] =	stream.linear.gather @!p0 [hbm4b:s13+s7], $0x80, $0x38;
	[tilespmem:$0x1E580] =	vst v63  }
0x20: {  	_ =	swait.ge @!p0 [sflag:s9], $0x80  }
0x21: {  	[sflag:s9] =	ssyncset.done @!p0 $0x0  }
0x22: {  	s10 =	simm.s32 @!p0 $0x100;
	[sflag:s9] =	ssyncadd.s32 @!p0 $0xFFFFFF80  }
0x23: {  	[tilespmem:s10], [sflag:$0x7] =	stream.linear.gather @!p0 [hbm4b:s14+s7], $0x80, $0x38;
	[tilespmem:$0x1E580] =	vst v63  }
0x24: {  	_ =	swait.ge @!p0 [sflag:s9], $0x80  }
0x25: {  	[sflag:s9] =	ssyncset.done @!p0 $0x0  }
0x26: {  	[sflag:s9] =	ssyncadd.s32 @!p0 $0xFFFFFF80  }
0x27: {  	v1 =	vld @!p0 [tilespmem:$0x100];
	_ =	sdelay $0x6  }
0x28: {  	v2 =	vimm.f32 @!p0 $1.000000000e+00;
	s11 =	simm.s32 @!p0 $0x1BE00  }
0x29: {  	[tilespmem:v1+s11+$0x0] =	vst.idx.add.f32.msk @!p0 $0xffff, v2  }
0x2a: {  	v1 =	vld @!p0 [tilespmem:$0x110];
	_ =	sdelay $0x7  }
0x2b: {  	[tilespmem:v1+s11+$0x0] =	vst.idx.add.f32.msk @!p0 $0xffff, v2  }
0x2c: {  	v1 =	vld @!p0 [tilespmem:$0x120];
	_ =	sdelay $0x7  }
0x2d: {  	[tilespmem:v1+s11+$0x0] =	vst.idx.add.f32.msk @!p0 $0xffff, v2  }
0x2e: {  	v1 =	vld @!p0 [tilespmem:$0x130];
	_ =	sdelay $0x7  }
0x2f: {  	[tilespmem:v1+s11+$0x0] =	vst.idx.add.f32.msk @!p0 $0xffff, v2  }
0x30: {  	v1 =	vld @!p0 [tilespmem:$0x140];
	_ =	sdelay $0x7  }
0x31: {  	[tilespmem:v1+s11+$0x0] =	vst.idx.add.f32.msk @!p0 $0xffff, v2  }
0x32: {  	v1 =	vld @!p0 [tilespmem:$0x150];
	_ =	sdelay $0x7  }
0x33: {  	[tilespmem:v1+s11+$0x0] =	vst.idx.add.f32.msk @!p0 $0xffff, v2  }
0x34: {  	v1 =	vld @!p0 [tilespmem:$0x160];
	_ =	sdelay $0x7  }
0x35: {  	[tilespmem:v1+s11+$0x0] =	vst.idx.add.f32.msk @!p0 $0xffff, v2  }
0x36: {  	v1 =	vld @!p0 [tilespmem:$0x170];
	_ =	sdelay $0x7  }
0x37: {  	s12 =	simm.s32 @!p0 $0x200;
	[tilespmem:v1+s11+$0x0] =	vst.idx.add.f32.msk @!p0 $0xffff, v2;
	s11 =	simm.s32 @!p0 $0x80  }
0x38: {  	[tilespmem:s12], [sflag:$0x1] =	stream.indirect.gather @!p0 [hbm4b:s1+s11], $0x80, s7, s11, $0xb8;
	[tilespmem:$0x1E580] =	vst v63  }
0x39: {  	s7 =	simm.s32 @!p0 $0x1  }
0x3a: {  	_ =	swait.ge @!p0 [sflag:s7], $0x4000  }
0x3b: {  	[sflag:s7] =	ssyncset.done @!p0 $0x0  }
0x3c: {  	[sflag:s7] =	ssyncadd.s32 @!p0 $0xFFFFC000  }
0x3d: {  	[spmem:s3] =	stream.indirect.scatter.add.f32 @!p0 [tilespmem:s12], [sflag:$0x7], $0x80, s10, s11, $0xb8;
	[tilespmem:$0x1E580] =	vst v63  }
0x3e: {  	_ =	swait.ge @!p0 [sflag:s9], $0x4000  }
0x3f: {  	[sflag:s9] =	ssyncset.done @!p0 $0x0  }
0x40: {  	[sflag:s9] =	ssyncadd.s32 @!p0 $0xFFFFC000  }
0x41: {  	[bflag:$0x0] =	sbarrier.arrive $0xFFFF  }
0x42: {  	[hbm:s15], [sflag:s8] =	dma.local [spmem:s6], $0x2780  }
0x43: {  	s5 =	sadd.s32 $0x1, s5;
	_ =	swait.ge [sflag:s20], $0x2780  }
0x44: {  	p1 =	sne.s32 s5, s17;
	[sflag:s20] =	ssyncset.done $0x0  }
.Ltmp1:
0x45: {  	s12 =	simm.s32 $0x400;
	[sflag:s20] =	ssyncadd.s32 $0xFFFFD880;
	(pc) =	sbr.rel @!p1 .LBB2_5-.Ltmp1, $4  }
0x46: {  	[hbm4b:s16+s23] =	stream.strided.scatter [tilespmem:s21], [sflag:$0x7], $0x2780, s12, s23, $0x38;
	[tilespmem:$0x1E580] =	vst v63  }
0x47: {  	_ =	swait.ge [sflag:s20], $0x2780  }
0x48: {  	[sflag:s20] =	ssyncset.done $0x0  }
0x49: {  	[sflag:s20] =	ssyncadd.s32 $0xFFFFD880  }
.LBB2_1:
0x4a: {  	s6 =	rddreg [dreg:$0x6]  }
0x4b: {  	s7 =	rddreg [dreg:$0x7];
	s6 =	sshrl.u32 s6, $0x3  }
0x4c: {  	[spmem:s6], [sflag:s8] =	dma.local [hbm:s7], $0x2780  }
0x4d: {  	_ =	swait.ge [sflag:s20], $0x2780  }
0x4e: {  	[sflag:s20] =	ssyncset.done $0x0  }
0x4f: {  	s12 =	rddreg [dreg:$0x5];
	[sflag:s20] =	ssyncadd.s32 $0xFFFFD880  }
0x50: {  	[tilespmem:s21], [sflag:$0x7] =	stream.linear.gather [hbm4b:s12+s4], $0x2780, $0x38;
	[tilespmem:$0x1E580] =	vst v63  }
0x51: {  	_ =	swait.ge [sflag:s20], $0x2780  }
0x52: {  	[sflag:s20] =	ssyncset.done $0x0  }
0x53: {  	[sflag:s20] =	ssyncadd.s32 $0xFFFFD880  }
0x54: {  	[bflag:$0x0] =	sbarrier.arrive $0xFFFF  }
0x55: {  	s9 =	rddreg [dreg:$0x8]  }
0x56: {  	[tilespmem:s4], [sflag:$0x3] =	stream.linear.gather [hbm4b:s9+s4], $0x80, $0x38;
	[tilespmem:$0x1E580] =	vst v63  }
0x57: {  	s10 =	rddreg [dreg:$0x9]  }
0x58: {  	[tilespmem:s22], [sflag:$0x5] =	stream.linear.gather [hbm4b:s10+s4], $0x80, $0x38;
	[tilespmem:$0x1E580] =	vst v63  }
0x59: {  	s11 =	rddreg [dreg:$0xa]  }
0x5a: {  	[tilespmem:s23], [sflag:$0x4] =	stream.linear.gather [hbm4b:s11+s4], $0x80, $0x38;
	[tilespmem:$0x1E580] =	vst v63  }
0x5b: {  	s12 =	rddreg [dreg:$0xb]  }
0x5c: {  	[tilespmem:s24], [sflag:$0x6] =	stream.linear.gather [hbm4b:s12+s4], $0x80, $0x38;
	[tilespmem:$0x1E580] =	vst v63  }
0x5d: {  	_ =	swait.ge [sflag:s25], $0x80  }
0x5e: {  	[sflag:s25] =	ssyncset.done $0x0  }
0x5f: {  	[sflag:s25] =	ssyncadd.s32 $0xFFFFFF80  }
0x60: {  	[tilespmem:s26], [sflag:$0x1] =	stream.indirect.gather [hbm4b:s1+s23], $0x80, s4, s23, $0xb8;
	[tilespmem:$0x1E580] =	vst v63  }
0x61: {  	_ =	swait.ge [sflag:s28], $0x80  }
0x62: {  	[sflag:s28] =	ssyncset.done $0x0  }
0x63: {  	s7 =	simm.s32 $0x0;
	[sflag:s28] =	ssyncadd.s32 $0xFFFFFF80  }
.LBB2_2:
0x64: {  	p1 =	seq.s32 s7, $0x0  }
0x65: {  	s9 =	simm.s32 @!p1 $0x4  }
0x66: {  	_ =	swait.ge @!p1 [sflag:s9], $0x80  }
0x67: {  	[sflag:s9] =	ssyncset.done @!p1 $0x0  }
0x68: {  	[sflag:s9] =	ssyncadd.s32 @!p1 $0xFFFFFF80  }
0x69: {  	[tilespmem:s29], [sflag:$0x2] =	stream.indirect.gather [hbm4b:s1+s23], $0x80, s23, s23, $0xb8;
	[tilespmem:$0x1E580] =	vst v63  }
0x6a: {  	p1 =	seq.s32 s7, $0x9800;
	_ =	swait.ge [sflag:s30], $0x4000  }
0x6b: {  	s9 =	sadd.s32 @!p1 s7, s19;
	[sflag:s30] =	ssyncset.done $0x0  }
0x6c: {  	s11 =	simm.s32 @!p1 $0x0;
	s10 =	sadd.s32 @!p1 $0x400, s9;
	[sflag:s30] =	ssyncadd.s32 $0xFFFFC000  }
0x6d: {  	[tilespmem:s11], [sflag:$0x3] =	stream.linear.gather @!p1 [hbm4b:s10+s11], $0x80, $0x38;
	[tilespmem:$0x1E580] =	vst v63  }
0x6e: {  	_ =	swait.ge [sflag:s31], $0x80  }
0x6f: {  	[sflag:s31] =	ssyncset.done $0x0  }
0x70: {  	[sflag:s31] =	ssyncadd.s32 $0xFFFFFF80  }
0x71: {  	v1 =	vld [tilespmem:$0x100];
	_ =	sdelay $0x7  }
0x72: {  	[tilespmem:v1+s21+$0x0] =	vst.idx.add.f32.msk $0xffff, v0  }
0x73: {  	v1 =	vld [tilespmem:$0x110];
	_ =	sdelay $0x7  }
0x74: {  	[tilespmem:v1+s21+$0x0] =	vst.idx.add.f32.msk $0xffff, v0  }
0x75: {  	v1 =	vld [tilespmem:$0x120];
	_ =	sdelay $0x7  }
0x76: {  	[tilespmem:v1+s21+$0x0] =	vst.idx.add.f32.msk $0xffff, v0  }
0x77: {  	v1 =	vld [tilespmem:$0x130];
	_ =	sdelay $0x7  }
0x78: {  	[tilespmem:v1+s21+$0x0] =	vst.idx.add.f32.msk $0xffff, v0  }
0x79: {  	v1 =	vld [tilespmem:$0x140];
	_ =	sdelay $0x7  }
0x7a: {  	[tilespmem:v1+s21+$0x0] =	vst.idx.add.f32.msk $0xffff, v0  }
0x7b: {  	v1 =	vld [tilespmem:$0x150];
	_ =	sdelay $0x7  }
0x7c: {  	[tilespmem:v1+s21+$0x0] =	vst.idx.add.f32.msk $0xffff, v0  }
0x7d: {  	v1 =	vld [tilespmem:$0x160];
	_ =	sdelay $0x7  }
0x7e: {  	[tilespmem:v1+s21+$0x0] =	vst.idx.add.f32.msk $0xffff, v0  }
0x7f: {  	v1 =	vld [tilespmem:$0x170];
	_ =	sdelay $0x7  }
0x80: {  	[tilespmem:v1+s21+$0x0] =	vst.idx.add.f32.msk $0xffff, v0  }
0x81: {  	[spmem:s3] =	stream.indirect.scatter.add.f32 [tilespmem:s26], [sflag:$0x7], $0x80, s22, s23, $0xb8;
	[tilespmem:$0x1E580] =	vst v63  }
0x82: {  	_ =	swait.ge [sflag:s20], $0x4000  }
0x83: {  	s10 =	sadd.s32 @!p1 s7, s18;
	[sflag:s20] =	ssyncset.done $0x0  }
0x84: {  	s12 =	simm.s32 @!p1 $0x100;
	s10 =	sadd.s32 @!p1 $0x400, s10;
	[sflag:s20] =	ssyncadd.s32 $0xFFFFC000  }
0x85: {  	[tilespmem:s12], [sflag:$0x5] =	stream.linear.gather @!p1 [hbm4b:s10+s11], $0x80, $0x38;
	[tilespmem:$0x1E580] =	vst v63  }
0x86: {  	s10 =	simm.s32 @!p1 $0x3  }
0x87: {  	_ =	swait.ge @!p1 [sflag:s10], $0x80  }
0x88: {  	[sflag:s10] =	ssyncset.done @!p1 $0x0  }
0x89: {  	s12 =	simm.s32 @!p1 $0x200;
	[sflag:s10] =	ssyncadd.s32 @!p1 $0xFFFFFF80;
	s10 =	simm.s32 @!p1 $0x80  }
0x8a: {  	[tilespmem:s12], [sflag:$0x1] =	stream.indirect.gather @!p1 [hbm4b:s1+s10], $0x80, s11, s10, $0xb8;
	[tilespmem:$0x1E580] =	vst v63  }
0x8b: {  	_ =	swait.ge [sflag:s0], $0x4000  }
0x8c: {  	[sflag:s0] =	ssyncset.done $0x0  }
0x8d: {  	s9 =	sadd.s32 @!p1 $0x600, s9;
	[sflag:s0] =	ssyncadd.s32 $0xFFFFC000  }
0x8e: {  	[tilespmem:s10], [sflag:$0x4] =	stream.linear.gather @!p1 [hbm4b:s9+s11], $0x80, $0x38;
	[tilespmem:$0x1E580] =	vst v63  }
0x8f: {  	_ =	swait.ge [sflag:s2], $0x80  }
0x90: {  	[sflag:s2] =	ssyncset.done $0x0  }
0x91: {  	[sflag:s2] =	ssyncadd.s32 $0xFFFFFF80  }
0x92: {  	v1 =	vld [tilespmem:$0x180];
	_ =	sdelay $0x7  }
0x93: {  	[tilespmem:v1+s21+$0x0] =	vst.idx.add.f32.msk $0xffff, v0  }
0x94: {  	v1 =	vld [tilespmem:$0x190];
	_ =	sdelay $0x7  }
0x95: {  	[tilespmem:v1+s21+$0x0] =	vst.idx.add.f32.msk $0xffff, v0  }
0x96: {  	v1 =	vld [tilespmem:$0x1A0];
	_ =	sdelay $0x7  }
0x97: {  	[tilespmem:v1+s21+$0x0] =	vst.idx.add.f32.msk $0xffff, v0  }
0x98: {  	v1 =	vld [tilespmem:$0x1B0];
	_ =	sdelay $0x7  }
0x99: {  	[tilespmem:v1+s21+$0x0] =	vst.idx.add.f32.msk $0xffff, v0  }
0x9a: {  	v1 =	vld [tilespmem:$0x1C0];
	_ =	sdelay $0x7  }
0x9b: {  	[tilespmem:v1+s21+$0x0] =	vst.idx.add.f32.msk $0xffff, v0  }
0x9c: {  	v1 =	vld [tilespmem:$0x1D0];
	_ =	sdelay $0x7  }
0x9d: {  	[tilespmem:v1+s21+$0x0] =	vst.idx.add.f32.msk $0xffff, v0  }
0x9e: {  	v1 =	vld [tilespmem:$0x1E0];
	_ =	sdelay $0x7  }
0x9f: {  	[tilespmem:v1+s21+$0x0] =	vst.idx.add.f32.msk $0xffff, v0  }
0xa0: {  	v1 =	vld [tilespmem:$0x1F0];
	_ =	sdelay $0x7  }
.Ltmp2:
0xa1: {  	[tilespmem:v1+s21+$0x0] =	vst.idx.add.f32.msk $0xffff, v0;
	(pc) =	sbr.rel @p1 .LBB2_4-.Ltmp2, $4  }
0xa2: {  	[spmem:s3] =	stream.indirect.scatter.add.f32 [tilespmem:s29], [sflag:$0x7], $0x80, s24, s23, $0xb8;
	[tilespmem:$0x1E580] =	vst v63  }
0xa3: {  	_ =	swait.ge [sflag:s20], $0x4000  }
0xa4: {  	[sflag:s20] =	ssyncset.done $0x0  }
0xa5: {  	[sflag:s20] =	ssyncadd.s32 $0xFFFFC000  }
.Ltmp3:
0xa6: {  	(pc) =	sbr.rel .LBB2_2-.Ltmp3, $4  }
0xa7: {  	_ = 	snop  }
0xa8: {  	s9 =	sadd.s32 s7, s18  }
0xa9: {  	s7 =	sadd.s32 $0x400, s7;
	s9 =	sadd.s32 $0x600, s9  }
0xaa: {  	[tilespmem:s24], [sflag:$0x6] =	stream.linear.gather [hbm4b:s9+s4], $0x80, $0x38;
	[tilespmem:$0x1E580] =	vst v63  }
.LBB2_5:
0xab: {  	_ =	sfence.sel $0x180000  }
0xac: {  	[bflag:$0x0] =	sbarrier.arrive $0xFFFF  }
0xad: {  	_ =	strace $0x90000047  }
0xae: {  	s0 =	stileid.u32;
	[bflag:$0x2] =	sbarrier.arrive $0xFFFF  }
0xaf: {  	p0 =	sne.s32 s0, $0x0;
	s0 =	rddreg [dreg:$0x4]  }
0xb0: {  	s0 =	sadd.s32 @!p0 $0x100000, s0  }
0xb1: {  	[sflag:s0] =	ssyncadd.tile.s32 @!p0 $0x1;
	_ =	shalt  }
.Lfunc_end2:
_tile_overlayer_lowered:
.L_overlay_start_2:
0xb2: {  	(tag) =	ssettag $0x2  }
0xb3: {  	s0 =	rddreg [dreg:$0x0];
	s2 =	stileid.u32  }
0xb4: {  	s1 =	rddreg [dreg:$0x1];
	p0 =	sne.s32 s2, $0x0  }
0xb5: {  	s3 =	rddreg [dreg:$0x2];
	[bflag:$0x3] =	sbarrier.arrive $0xFFFF;
	s2 =	simm.s32 @!p0 $0x1C07  }
0xb6: {  	[timem:s3], [sflag:s2] =	dma.local @!p0 [hbm:s0], s1  }
0xb7: {  	s0 =	simm.s32 @!p0 $0x7  }
0xb8: {  	_ =	swait.ge @!p0 [sflag:s0], s1  }
0xb9: {  	s1 =	ssub.s32 @!p0 $0x0, s1;
	[sflag:s0] =	ssyncset.done @!p0 $0x0  }
0xba: {  	[sflag:s0] =	ssyncadd.s32 @!p0 s1  }
0xbb: {  	[bflag:$0x3] =	sbarrier.arrive $0xFFFF  }
0xbc: {  	_ =	shalt  }

</sc_bundles>
